<compile_context>
chip_gen: v7x
topology: tpu7x:2x2x1
jax: 0.10.2.dev20260603
libtpu: 0.0.44.dev20260713+nightly
codegen_flags: <defaults>
</compile_context>

<pallas_src>
import jax
import jax.numpy as jnp
from jax import lax
from jax.experimental import pallas as pl
from jax.experimental.pallas import tpu as pltpu
from jax.experimental.pallas import tpu_sc as plsc

NUM_MOLECULES = 16384
NUM_ATOMS = 200
NUM_SPECIES = 8
HALF = NUM_ATOMS // 2

NC = 2
NS = 16
L = 16
NW = NC * NS
M_PER_W = NUM_MOLECULES // NW
CH = 128
NCHUNK = M_PER_W // CH
NPAIR = NCHUNK // 2
NGROUP = CH // L


def _body(speciesT_hbm, energies_hbm, ptab_hbm, out_hbm, sout_hbm,
          buf, ptab_v, ebuf, obuf,
          sem0, sem1, esem, ssem, wsem):
    wid = lax.axis_index("s") * NC + lax.axis_index("c")
    base = wid * M_PER_W
    HM = M_PER_W // 2

    ecopy = pltpu.async_copy(
        energies_hbm.at[pl.ds(base, M_PER_W)], ebuf, esem)
    fill0 = pltpu.async_copy(
        speciesT_hbm.at[:, pl.ds(base, HM)], buf.at[:, pl.ds(0, HM)], sem0)
    fill1 = pltpu.async_copy(
        speciesT_hbm.at[:, pl.ds(base + HM, HM)],
        buf.at[:, pl.ds(HM, HM)], sem1)
    pltpu.sync_copy(ptab_hbm, ptab_v)
    ecopy.wait()

    lanes = lax.iota(jnp.int32, L)

    def group_body(g, carry):
        @pl.when(g == HM // L)
        def _():
            fill1.wait()
            pltpu.async_copy(
                buf.at[:, pl.ds(HM, HM)],
                sout_hbm.at[:, pl.ds(base + HM, HM)], wsem)

        off = g * L
        acc0 = jnp.zeros((L,), jnp.float32)
        acc1 = jnp.zeros((L,), jnp.float32)
        for a in range(HALF):
            s_lo = buf[a, pl.ds(off, L)]
            s_hi = buf[a + HALF, pl.ds(off, L)]
            v = plsc.load_gather(ptab_v, [s_lo, s_hi, lanes])
            if a % 2 == 0:
                acc0 = acc0 + v
            else:
                acc1 = acc1 + v
        obuf[pl.ds(off, L)] = (acc0 + acc1) + ebuf[pl.ds(off, L)]
        return carry

    fill0.wait()
    wb0 = pltpu.async_copy(
        buf.at[:, pl.ds(0, HM)], sout_hbm.at[:, pl.ds(base, HM)], ssem)

    lax.fori_loop(0, M_PER_W // L, group_body, None)

    pltpu.sync_copy(obuf, out_hbm.at[pl.ds(base, M_PER_W)])
    wb0.wait()
    pltpu.make_async_copy(
        buf.at[:, pl.ds(HM, HM)],
        sout_hbm.at[:, pl.ds(base + HM, HM)], wsem).wait()


@jax.jit
def _shifter(speciesT, energies, ptab):
    mesh = plsc.VectorSubcoreMesh(
        core_axis_name="c", subcore_axis_name="s",
        num_cores=NC, num_subcores=NS)
    run = pl.kernel(
        _body,
        out_type=(
            jax.ShapeDtypeStruct((NUM_MOLECULES,), jnp.float32),
            jax.ShapeDtypeStruct((NUM_ATOMS, NUM_MOLECULES), jnp.int32),
        ),
        mesh=mesh,
        scratch_types=[
            pltpu.VMEM((NUM_ATOMS, M_PER_W), jnp.int32),
            pltpu.VMEM((NUM_SPECIES, NUM_SPECIES, L), jnp.float32),
            pltpu.VMEM((M_PER_W,), jnp.float32),
            pltpu.VMEM((M_PER_W,), jnp.float32),
            pltpu.SemaphoreType.DMA,
            pltpu.SemaphoreType.DMA,
            pltpu.SemaphoreType.DMA,
            pltpu.SemaphoreType.DMA,
            pltpu.SemaphoreType.DMA,
        ],
        compiler_params=pltpu.CompilerParams(
            use_tc_tiling_on_sc=True, needs_layout_passes=False),
    )
    return run(speciesT, energies, ptab)


def kernel(species, energies, self_energies):
    t = self_energies.astype(jnp.float32)
    ptab = jnp.broadcast_to(
        (t[:, None] + t[None, :])[:, :, None],
        (NUM_SPECIES, NUM_SPECIES, L))
    shifted, speciesT_out = _shifter(species.T, energies, ptab)
    return speciesT_out.T, shifted

# --- scband reference (transcript-rebuilt; emitter-appended) ---
"""Pipeline reference for scband-energy-shifter-4337916970008 (READ-ONLY COPY).

The authoritative reference and input builder live on the scoring server;
editing this copy changes nothing except your own understanding.
"""

import jax, jax.numpy as jnp
import numpy as np

NUM_MOLECULES = 16384
NUM_ATOMS = 200
NUM_SPECIES = 8

SELF_ENERGIES = [-0.600953, -38.08316, -54.7077, -75.194466, -398.10483, -99.80889, -460.14763, 0.0]


def setup_inputs(seed: int = 0) -> dict:
    key = jax.random.key(seed)
    k1, k2 = jax.random.split(key)
    # species: integer atomic-species indices per atom; -1 would denote padding
    species = jax.random.randint(k1, (NUM_MOLECULES, NUM_ATOMS), 0, NUM_SPECIES, dtype=jnp.int32)
    # energies: raw per-molecule energies from the NN potential
    energies = jax.random.normal(k2, (NUM_MOLECULES,), dtype=jnp.float32)
    # learned/fitted parameter of the EnergyAdder: one self-atomic-energy per species
    self_energies = jnp.asarray(SELF_ENERGIES, dtype=jnp.float32)
    return {"species": species, "energies": energies, "self_energies": self_energies}


def reference(species, energies, self_energies):
    # EnergyAdder: gather per-atom self energies (padding species < 0 contribute 0)
    mask = species >= 0
    safe_species = jnp.where(mask, species, 0)
    per_atom = jnp.take(self_energies, safe_species, axis=0)
    per_atom = jnp.where(mask, per_atom, 0.0)
    sae = per_atom.sum(axis=1)
    # EnergyShifter: shift the molecular energies by the summed self energies
    shifted = energies + sae
    return species, shifted

if __name__ == "__main__":
    import jax
    _d = setup_inputs()
    print(jax.jit(kernel)(*tuple(_d.values())))

</pallas_src>

<mosaic_0001>
#map = affine_map<(d0, d1) -> (0, 0)>
#map1 = affine_map<(d0, d1) -> (0)>
#map2 = affine_map<(d0, d1) -> (0, 0, 0)>
module attributes {stable_mosaic.version = 14 : i64} {
  func.func @_body(%arg0: i32, %arg1: i32, %arg2: memref<200x16384xi32, #tpu.memory_space<hbm>>, %arg3: memref<16384xf32, #tpu.memory_space<hbm>>, %arg4: memref<8x8x16xf32, #tpu.memory_space<hbm>>, %arg5: memref<16384xf32, #tpu.memory_space<hbm>>, %arg6: memref<200x16384xi32, #tpu.memory_space<hbm>>, %arg7: memref<200x512xi32, #tpu.memory_space<vmem>>, %arg8: memref<8x8x16xf32, #tpu.memory_space<vmem>>, %arg9: memref<512xf32, #tpu.memory_space<vmem>>, %arg10: memref<512xf32, #tpu.memory_space<vmem>>, %arg11: memref<!tpu.dma_semaphore, #tpu.memory_space<semaphore_mem>>, %arg12: memref<!tpu.dma_semaphore, #tpu.memory_space<semaphore_mem>>, %arg13: memref<!tpu.dma_semaphore, #tpu.memory_space<semaphore_mem>>, %arg14: memref<!tpu.dma_semaphore, #tpu.memory_space<semaphore_mem>>, %arg15: memref<!tpu.dma_semaphore, #tpu.memory_space<semaphore_mem>>) attributes {dimension_semantics = [#tpu.dimension_semantics<core_parallel>, #tpu.dimension_semantics<subcore_parallel>], iteration_bounds = array<i64: 2, 16>, scalar_prefetch = 0 : i64, scratch_operands = 9 : i64, tpu.core_type = #tpu.core_type<sc_vector_subcore>, window_params = [{transform_indices = #map}, {transform_indices = #map1}, {transform_indices = #map2}, {transform_indices = #map1}, {transform_indices = #map}]} {
    %mul3A = arith.constant 2 : i32
    %mul3A_0 = arith.muli %arg1, %mul3A : i32
    %add3A = arith.addi %mul3A_0, %arg0 : i32
    %mul3A_1 = arith.constant 512 : i32
    %mul3A_2 = arith.muli %add3A, %mul3A_1 : i32
    %dma_start3A = tpu.memref_slice %arg3[%mul3A_2] : memref<16384xf32, #tpu.memory_space<hbm>> -> memref<512xf32, #tpu.memory_space<hbm>>
    %dma_start3A_3 = tpu.memref_slice %arg3[%mul3A_2] : memref<16384xf32, #tpu.memory_space<hbm>> -> memref<512xf32, #tpu.memory_space<hbm>>
    tpu.enqueue_dma source(%dma_start3A_3 : memref<512xf32, #tpu.memory_space<hbm>>) target(%arg9 : memref<512xf32, #tpu.memory_space<vmem>>) target_semaphore(%arg13 : memref<!tpu.dma_semaphore, #tpu.memory_space<semaphore_mem>>)
    %dma_start3A_4 = arith.constant 0 : i32
    %dma_start3A_5 = arith.constant 0 : i32
    %dma_start3A_6 = tpu.memref_slice %arg7[%dma_start3A_4, %dma_start3A_5] : memref<200x512xi32, #tpu.memory_space<vmem>> -> memref<200x256xi32, #tpu.memory_space<vmem>>
    %dma_start3A_7 = arith.constant 0 : i32
    %dma_start3A_8 = tpu.memref_slice %arg2[%dma_start3A_7, %mul3A_2] : memref<200x16384xi32, #tpu.memory_space<hbm>> -> memref<200x256xi32, #tpu.memory_space<hbm>>
    %dma_start3A_9 = arith.constant 0 : i32
    %dma_start3A_10 = arith.constant 0 : i32
    %dma_start3A_11 = tpu.memref_slice %arg7[%dma_start3A_9, %dma_start3A_10] : memref<200x512xi32, #tpu.memory_space<vmem>> -> memref<200x256xi32, #tpu.memory_space<vmem>>
    %dma_start3A_12 = arith.constant 0 : i32
    %dma_start3A_13 = tpu.memref_slice %arg2[%dma_start3A_12, %mul3A_2] : memref<200x16384xi32, #tpu.memory_space<hbm>> -> memref<200x256xi32, #tpu.memory_space<hbm>>
    tpu.enqueue_dma source(%dma_start3A_13 : memref<200x256xi32, #tpu.memory_space<hbm>>) target(%dma_start3A_11 : memref<200x256xi32, #tpu.memory_space<vmem>>) target_semaphore(%arg11 : memref<!tpu.dma_semaphore, #tpu.memory_space<semaphore_mem>>)
    %add3A_14 = arith.constant 256 : i32
    %add3A_15 = arith.addi %mul3A_2, %add3A_14 : i32
    %dma_start3A_16 = arith.constant 0 : i32
    %dma_start3A_17 = arith.constant 256 : i32
    %dma_start3A_18 = tpu.memref_slice %arg7[%dma_start3A_16, %dma_start3A_17] : memref<200x512xi32, #tpu.memory_space<vmem>> -> memref<200x256xi32, #tpu.memory_space<vmem>>
    %dma_start3A_19 = arith.constant 0 : i32
    %dma_start3A_20 = tpu.memref_slice %arg2[%dma_start3A_19, %add3A_15] : memref<200x16384xi32, #tpu.memory_space<hbm>> -> memref<200x256xi32, #tpu.memory_space<hbm>>
    %dma_start3A_21 = arith.constant 0 : i32
    %dma_start3A_22 = arith.constant 256 : i32
    %dma_start3A_23 = tpu.memref_slice %arg7[%dma_start3A_21, %dma_start3A_22] : memref<200x512xi32, #tpu.memory_space<vmem>> -> memref<200x256xi32, #tpu.memory_space<vmem>>
    %dma_start3A_24 = arith.constant 0 : i32
    %dma_start3A_25 = tpu.memref_slice %arg2[%dma_start3A_24, %add3A_15] : memref<200x16384xi32, #tpu.memory_space<hbm>> -> memref<200x256xi32, #tpu.memory_space<hbm>>
    tpu.enqueue_dma source(%dma_start3A_25 : memref<200x256xi32, #tpu.memory_space<hbm>>) target(%dma_start3A_23 : memref<200x256xi32, #tpu.memory_space<vmem>>) target_semaphore(%arg12 : memref<!tpu.dma_semaphore, #tpu.memory_space<semaphore_mem>>)
    "tpu.region"() ({
      %run_scoped3A = tpu.sem_alloc : memref<!tpu.dma_semaphore, #tpu.memory_space<semaphore_mem>>
      tpu.enqueue_dma source(%arg4 : memref<8x8x16xf32, #tpu.memory_space<hbm>>) target(%arg8 : memref<8x8x16xf32, #tpu.memory_space<vmem>>) target_semaphore(%run_scoped3A : memref<!tpu.dma_semaphore, #tpu.memory_space<semaphore_mem>>)
      tpu.wait_dma2 semaphore(%run_scoped3A : memref<!tpu.dma_semaphore, #tpu.memory_space<semaphore_mem>>) src(%arg4 : memref<8x8x16xf32, #tpu.memory_space<hbm>>) dst(%arg8 : memref<8x8x16xf32, #tpu.memory_space<vmem>>)
      tpu.yield
    }) : () -> ()
    %dma_wait3A = tpu.memref_slice %arg3[%mul3A_2] : memref<16384xf32, #tpu.memory_space<hbm>> -> memref<512xf32, #tpu.memory_space<hbm>>
    %dma_wait3A_26 = tpu.memref_slice %arg3[%mul3A_2] : memref<16384xf32, #tpu.memory_space<hbm>> -> memref<512xf32, #tpu.memory_space<hbm>>
    tpu.wait_dma2 semaphore(%arg13 : memref<!tpu.dma_semaphore, #tpu.memory_space<semaphore_mem>>) src(%dma_wait3A_26 : memref<512xf32, #tpu.memory_space<hbm>>) dst(%arg9 : memref<512xf32, #tpu.memory_space<vmem>>)
    %iota3A = tpu.iota {dimensions = array<i32: 0>} : vector<16xi32>
    %dma_wait3A_27 = arith.constant 0 : i32
    %dma_wait3A_28 = arith.constant 0 : i32
    %dma_wait3A_29 = tpu.memref_slice %arg7[%dma_wait3A_27, %dma_wait3A_28] : memref<200x512xi32, #tpu.memory_space<vmem>> -> memref<200x256xi32, #tpu.memory_space<vmem>>
    %dma_wait3A_30 = arith.constant 0 : i32
    %dma_wait3A_31 = tpu.memref_slice %arg2[%dma_wait3A_30, %mul3A_2] : memref<200x16384xi32, #tpu.memory_space<hbm>> -> memref<200x256xi32, #tpu.memory_space<hbm>>
    %dma_wait3A_32 = arith.constant 0 : i32
    %dma_wait3A_33 = arith.constant 0 : i32
    %dma_wait3A_34 = tpu.memref_slice %arg7[%dma_wait3A_32, %dma_wait3A_33] : memref<200x512xi32, #tpu.memory_space<vmem>> -> memref<200x256xi32, #tpu.memory_space<vmem>>
    %dma_wait3A_35 = arith.constant 0 : i32
    %dma_wait3A_36 = tpu.memref_slice %arg2[%dma_wait3A_35, %mul3A_2] : memref<200x16384xi32, #tpu.memory_space<hbm>> -> memref<200x256xi32, #tpu.memory_space<hbm>>
    tpu.wait_dma2 semaphore(%arg11 : memref<!tpu.dma_semaphore, #tpu.memory_space<semaphore_mem>>) src(%dma_wait3A_36 : memref<200x256xi32, #tpu.memory_space<hbm>>) dst(%dma_wait3A_34 : memref<200x256xi32, #tpu.memory_space<vmem>>)
    %dma_start3A_37 = arith.constant 0 : i32
    %dma_start3A_38 = arith.constant 0 : i32
    %dma_start3A_39 = tpu.memref_slice %arg7[%dma_start3A_37, %dma_start3A_38] : memref<200x512xi32, #tpu.memory_space<vmem>> -> memref<200x256xi32, #tpu.memory_space<vmem>>
    %dma_start3A_40 = arith.constant 0 : i32
    %dma_start3A_41 = tpu.memref_slice %arg6[%dma_start3A_40, %mul3A_2] : memref<200x16384xi32, #tpu.memory_space<hbm>> -> memref<200x256xi32, #tpu.memory_space<hbm>>
    %dma_start3A_42 = arith.constant 0 : i32
    %dma_start3A_43 = tpu.memref_slice %arg6[%dma_start3A_42, %mul3A_2] : memref<200x16384xi32, #tpu.memory_space<hbm>> -> memref<200x256xi32, #tpu.memory_space<hbm>>
    %dma_start3A_44 = arith.constant 0 : i32
    %dma_start3A_45 = arith.constant 0 : i32
    %dma_start3A_46 = tpu.memref_slice %arg7[%dma_start3A_44, %dma_start3A_45] : memref<200x512xi32, #tpu.memory_space<vmem>> -> memref<200x256xi32, #tpu.memory_space<vmem>>
    tpu.enqueue_dma source(%dma_start3A_46 : memref<200x256xi32, #tpu.memory_space<vmem>>) target(%dma_start3A_43 : memref<200x256xi32, #tpu.memory_space<hbm>>) target_semaphore(%arg14 : memref<!tpu.dma_semaphore, #tpu.memory_space<semaphore_mem>>)
    %scan3A = arith.constant 0 : i32
    %scan3A_47 = arith.constant 32 : i32
    %scan3A_48 = arith.addi %scan3A, %scan3A_47 : i32
    %scan3A_49 = arith.constant 1 : i32
    scf.for %scan3A_73 = %scan3A to %scan3A_48 step %scan3A_49  : i32 {
      %eq3A = arith.constant 16 : i32
      %eq3A_74 = arith.cmpi eq, %scan3A_73, %eq3A : i32
      %convert_element_type3A = arith.extui %eq3A_74 : i1 to i32
      %cond3A = arith.constant 0 : i32
      %cond3A_75 = arith.cmpi ne, %convert_element_type3A, %cond3A : i32
      scf.if %cond3A_75 {
        %dma_wait3A_1084 = arith.constant 0 : i32
        %dma_wait3A_1085 = arith.constant 256 : i32
        %dma_wait3A_1086 = tpu.memref_slice %arg7[%dma_wait3A_1084, %dma_wait3A_1085] : memref<200x512xi32, #tpu.memory_space<vmem>> -> memref<200x256xi32, #tpu.memory_space<vmem>>
        %dma_wait3A_1087 = arith.constant 0 : i32
        %dma_wait3A_1088 = tpu.memref_slice %arg2[%dma_wait3A_1087, %add3A_15] : memref<200x16384xi32, #tpu.memory_space<hbm>> -> memref<200x256xi32, #tpu.memory_space<hbm>>
        %dma_wait3A_1089 = arith.constant 0 : i32
        %dma_wait3A_1090 = arith.constant 256 : i32
        %dma_wait3A_1091 = tpu.memref_slice %arg7[%dma_wait3A_1089, %dma_wait3A_1090] : memref<200x512xi32, #tpu.memory_space<vmem>> -> memref<200x256xi32, #tpu.memory_space<vmem>>
        %dma_wait3A_1092 = arith.constant 0 : i32
        %dma_wait3A_1093 = tpu.memref_slice %arg2[%dma_wait3A_1092, %add3A_15] : memref<200x16384xi32, #tpu.memory_space<hbm>> -> memref<200x256xi32, #tpu.memory_space<hbm>>
        tpu.wait_dma2 semaphore(%arg12 : memref<!tpu.dma_semaphore, #tpu.memory_space<semaphore_mem>>) src(%dma_wait3A_1093 : memref<200x256xi32, #tpu.memory_space<hbm>>) dst(%dma_wait3A_1091 : memref<200x256xi32, #tpu.memory_space<vmem>>)
        %add3A_1094 = arith.constant 256 : i32
        %add3A_1095 = arith.addi %mul3A_2, %add3A_1094 : i32
        %dma_start3A_1096 = arith.constant 0 : i32
        %dma_start3A_1097 = arith.constant 256 : i32
        %dma_start3A_1098 = tpu.memref_slice %arg7[%dma_start3A_1096, %dma_start3A_1097] : memref<200x512xi32, #tpu.memory_space<vmem>> -> memref<200x256xi32, #tpu.memory_space<vmem>>
        %dma_start3A_1099 = arith.constant 0 : i32
        %dma_start3A_1100 = tpu.memref_slice %arg6[%dma_start3A_1099, %add3A_1095] : memref<200x16384xi32, #tpu.memory_space<hbm>> -> memref<200x256xi32, #tpu.memory_space<hbm>>
        %dma_start3A_1101 = arith.constant 0 : i32
        %dma_start3A_1102 = tpu.memref_slice %arg6[%dma_start3A_1101, %add3A_1095] : memref<200x16384xi32, #tpu.memory_space<hbm>> -> memref<200x256xi32, #tpu.memory_space<hbm>>
        %dma_start3A_1103 = arith.constant 0 : i32
        %dma_start3A_1104 = arith.constant 256 : i32
        %dma_start3A_1105 = tpu.memref_slice %arg7[%dma_start3A_1103, %dma_start3A_1104] : memref<200x512xi32, #tpu.memory_space<vmem>> -> memref<200x256xi32, #tpu.memory_space<vmem>>
        tpu.enqueue_dma source(%dma_start3A_1105 : memref<200x256xi32, #tpu.memory_space<vmem>>) target(%dma_start3A_1102 : memref<200x256xi32, #tpu.memory_space<hbm>>) target_semaphore(%arg15 : memref<!tpu.dma_semaphore, #tpu.memory_space<semaphore_mem>>)
      } else {
      }
      %mul3A_76 = arith.constant 16 : i32
      %mul3A_77 = arith.muli %scan3A_73, %mul3A_76 : i32
      %broadcast_in_dim3A = arith.constant 0.000000e+00 : f32
      %broadcast_in_dim3A_78 = vector.broadcast %broadcast_in_dim3A : f32 to vector<16xf32>
      %broadcast_in_dim3A_79 = arith.constant 0.000000e+00 : f32
      %broadcast_in_dim3A_80 = vector.broadcast %broadcast_in_dim3A_79 : f32 to vector<16xf32>
      %get3A = arith.constant 0 : i32
      %get3A_81 = arith.index_cast %get3A : i32 to index
      %get3A_82 = arith.index_cast %mul3A_77 : i32 to index
      %get3A_83 = tpu.vector_load %arg7[%get3A_81, %get3A_82] {strides = array<i32>} : memref<200x512xi32, #tpu.memory_space<vmem>>, vector<16xi32>,
      %get3A_84 = arith.constant 100 : i32
      %get3A_85 = arith.index_cast %get3A_84 : i32 to index
      %get3A_86 = arith.index_cast %mul3A_77 : i32 to index
      %get3A_87 = tpu.vector_load %arg7[%get3A_85, %get3A_86] {strides = array<i32>} : memref<200x512xi32, #tpu.memory_space<vmem>>, vector<16xi32>,
      %gather3A = tpu.vector_load_idx %arg8[%get3A_83, %get3A_87, %iota3A] : memref<8x8x16xf32, #tpu.memory_space<vmem>>[vector<16xi32>, vector<16xi32>, vector<16xi32>], vector<16xf32>,
      %add3A_88 = arith.addf %broadcast_in_dim3A_78, %gather3A : vector<16xf32>
      %get3A_89 = arith.constant 1 : i32
      %get3A_90 = arith.index_cast %get3A_89 : i32 to index
      %get3A_91 = arith.index_cast %mul3A_77 : i32 to index
      %get3A_92 = tpu.vector_load %arg7[%get3A_90, %get3A_91] {strides = array<i32>} : memref<200x512xi32, #tpu.memory_space<vmem>>, vector<16xi32>,
      %get3A_93 = arith.constant 101 : i32
      %get3A_94 = arith.index_cast %get3A_93 : i32 to index
      %get3A_95 = arith.index_cast %mul3A_77 : i32 to index
      %get3A_96 = tpu.vector_load %arg7[%get3A_94, %get3A_95] {strides = array<i32>} : memref<200x512xi32, #tpu.memory_space<vmem>>, vector<16xi32>,
      %gather3A_97 = tpu.vector_load_idx %arg8[%get3A_92, %get3A_96, %iota3A] : memref<8x8x16xf32, #tpu.memory_space<vmem>>[vector<16xi32>, vector<16xi32>, vector<16xi32>], vector<16xf32>,
      %add3A_98 = arith.addf %broadcast_in_dim3A_80, %gather3A_97 : vector<16xf32>
      %get3A_99 = arith.constant 2 : i32
      %get3A_100 = arith.index_cast %get3A_99 : i32 to index
      %get3A_101 = arith.index_cast %mul3A_77 : i32 to index
      %get3A_102 = tpu.vector_load %arg7[%get3A_100, %get3A_101] {strides = array<i32>} : memref<200x512xi32, #tpu.memory_space<vmem>>, vector<16xi32>,
      %get3A_103 = arith.constant 102 : i32
      %get3A_104 = arith.index_cast %get3A_103 : i32 to index
      %get3A_105 = arith.index_cast %mul3A_77 : i32 to index
      %get3A_106 = tpu.vector_load %arg7[%get3A_104, %get3A_105] {strides = array<i32>} : memref<200x512xi32, #tpu.memory_space<vmem>>, vector<16xi32>,
      %gather3A_107 = tpu.vector_load_idx %arg8[%get3A_102, %get3A_106, %iota3A] : memref<8x8x16xf32, #tpu.memory_space<vmem>>[vector<16xi32>, vector<16xi32>, vector<16xi32>], vector<16xf32>,
      %add3A_108 = arith.addf %add3A_88, %gather3A_107 : vector<16xf32>
      %get3A_109 = arith.constant 3 : i32
      %get3A_110 = arith.index_cast %get3A_109 : i32 to index
      %get3A_111 = arith.index_cast %mul3A_77 : i32 to index
      %get3A_112 = tpu.vector_load %arg7[%get3A_110, %get3A_111] {strides = array<i32>} : memref<200x512xi32, #tpu.memory_space<vmem>>, vector<16xi32>,
      %get3A_113 = arith.constant 103 : i32
      %get3A_114 = arith.index_cast %get3A_113 : i32 to index
      %get3A_115 = arith.index_cast %mul3A_77 : i32 to index
      %get3A_116 = tpu.vector_load %arg7[%get3A_114, %get3A_115] {strides = array<i32>} : memref<200x512xi32, #tpu.memory_space<vmem>>, vector<16xi32>,
      %gather3A_117 = tpu.vector_load_idx %arg8[%get3A_112, %get3A_116, %iota3A] : memref<8x8x16xf32, #tpu.memory_space<vmem>>[vector<16xi32>, vector<16xi32>, vector<16xi32>], vector<16xf32>,
      %add3A_118 = arith.addf %add3A_98, %gather3A_117 : vector<16xf32>
      %get3A_119 = arith.constant 4 : i32
      %get3A_120 = arith.index_cast %get3A_119 : i32 to index
      %get3A_121 = arith.index_cast %mul3A_77 : i32 to index
      %get3A_122 = tpu.vector_load %arg7[%get3A_120, %get3A_121] {strides = array<i32>} : memref<200x512xi32, #tpu.memory_space<vmem>>, vector<16xi32>,
      %get3A_123 = arith.constant 104 : i32
      %get3A_124 = arith.index_cast %get3A_123 : i32 to index
      %get3A_125 = arith.index_cast %mul3A_77 : i32 to index
      %get3A_126 = tpu.vector_load %arg7[%get3A_124, %get3A_125] {strides = array<i32>} : memref<200x512xi32, #tpu.memory_space<vmem>>, vector<16xi32>,
      %gather3A_127 = tpu.vector_load_idx %arg8[%get3A_122, %get3A_126, %iota3A] : memref<8x8x16xf32, #tpu.memory_space<vmem>>[vector<16xi32>, vector<16xi32>, vector<16xi32>], vector<16xf32>,
      %add3A_128 = arith.addf %add3A_108, %gather3A_127 : vector<16xf32>
      %get3A_129 = arith.constant 5 : i32
      %get3A_130 = arith.index_cast %get3A_129 : i32 to index
      %get3A_131 = arith.index_cast %mul3A_77 : i32 to index
      %get3A_132 = tpu.vector_load %arg7[%get3A_130, %get3A_131] {strides = array<i32>} : memref<200x512xi32, #tpu.memory_space<vmem>>, vector<16xi32>,
      %get3A_133 = arith.constant 105 : i32
      %get3A_134 = arith.index_cast %get3A_133 : i32 to index
      %get3A_135 = arith.index_cast %mul3A_77 : i32 to index
      %get3A_136 = tpu.vector_load %arg7[%get3A_134, %get3A_135] {strides = array<i32>} : memref<200x512xi32, #tpu.memory_space<vmem>>, vector<16xi32>,
      %gather3A_137 = tpu.vector_load_idx %arg8[%get3A_132, %get3A_136, %iota3A] : memref<8x8x16xf32, #tpu.memory_space<vmem>>[vector<16xi32>, vector<16xi32>, vector<16xi32>], vector<16xf32>,
      %add3A_138 = arith.addf %add3A_118, %gather3A_137 : vector<16xf32>
      %get3A_139 = arith.constant 6 : i32
      %get3A_140 = arith.index_cast %get3A_139 : i32 to index
      %get3A_141 = arith.index_cast %mul3A_77 : i32 to index
      %get3A_142 = tpu.vector_load %arg7[%get3A_140, %get3A_141] {strides = array<i32>} : memref<200x512xi32, #tpu.memory_space<vmem>>, vector<16xi32>,
      %get3A_143 = arith.constant 106 : i32
      %get3A_144 = arith.index_cast %get3A_143 : i32 to index
      %get3A_145 = arith.index_cast %mul3A_77 : i32 to index
      %get3A_146 = tpu.vector_load %arg7[%get3A_144, %get3A_145] {strides = array<i32>} : memref<200x512xi32, #tpu.memory_space<vmem>>, vector<16xi32>,
      %gather3A_147 = tpu.vector_load_idx %arg8[%get3A_142, %get3A_146, %iota3A] : memref<8x8x16xf32, #tpu.memory_space<vmem>>[vector<16xi32>, vector<16xi32>, vector<16xi32>], vector<16xf32>,
      %add3A_148 = arith.addf %add3A_128, %gather3A_147 : vector<16xf32>
      %get3A_149 = arith.constant 7 : i32
      %get3A_150 = arith.index_cast %get3A_149 : i32 to index
      %get3A_151 = arith.index_cast %mul3A_77 : i32 to index
      %get3A_152 = tpu.vector_load %arg7[%get3A_150, %get3A_151] {strides = array<i32>} : memref<200x512xi32, #tpu.memory_space<vmem>>, vector<16xi32>,
      %get3A_153 = arith.constant 107 : i32
      %get3A_154 = arith.index_cast %get3A_153 : i32 to index
      %get3A_155 = arith.index_cast %mul3A_77 : i32 to index
      %get3A_156 = tpu.vector_load %arg7[%get3A_154, %get3A_155] {strides = array<i32>} : memref<200x512xi32, #tpu.memory_space<vmem>>, vector<16xi32>,
      %gather3A_157 = tpu.vector_load_idx %arg8[%get3A_152, %get3A_156, %iota3A] : memref<8x8x16xf32, #tpu.memory_space<vmem>>[vector<16xi32>, vector<16xi32>, vector<16xi32>], vector<16xf32>,
      %add3A_158 = arith.addf %add3A_138, %gather3A_157 : vector<16xf32>
      %get3A_159 = arith.constant 8 : i32
      %get3A_160 = arith.index_cast %get3A_159 : i32 to index
      %get3A_161 = arith.index_cast %mul3A_77 : i32 to index
      %get3A_162 = tpu.vector_load %arg7[%get3A_160, %get3A_161] {strides = array<i32>} : memref<200x512xi32, #tpu.memory_space<vmem>>, vector<16xi32>,
      %get3A_163 = arith.constant 108 : i32
      %get3A_164 = arith.index_cast %get3A_163 : i32 to index
      %get3A_165 = arith.index_cast %mul3A_77 : i32 to index
      %get3A_166 = tpu.vector_load %arg7[%get3A_164, %get3A_165] {strides = array<i32>} : memref<200x512xi32, #tpu.memory_space<vmem>>, vector<16xi32>,
      %gather3A_167 = tpu.vector_load_idx %arg8[%get3A_162, %get3A_166, %iota3A] : memref<8x8x16xf32, #tpu.memory_space<vmem>>[vector<16xi32>, vector<16xi32>, vector<16xi32>], vector<16xf32>,
      %add3A_168 = arith.addf %add3A_148, %gather3A_167 : vector<16xf32>
      %get3A_169 = arith.constant 9 : i32
      %get3A_170 = arith.index_cast %get3A_169 : i32 to index
      %get3A_171 = arith.index_cast %mul3A_77 : i32 to index
      %get3A_172 = tpu.vector_load %arg7[%get3A_170, %get3A_171] {strides = array<i32>} : memref<200x512xi32, #tpu.memory_space<vmem>>, vector<16xi32>,
      %get3A_173 = arith.constant 109 : i32
      %get3A_174 = arith.index_cast %get3A_173 : i32 to index
      %get3A_175 = arith.index_cast %mul3A_77 : i32 to index
      %get3A_176 = tpu.vector_load %arg7[%get3A_174, %get3A_175] {strides = array<i32>} : memref<200x512xi32, #tpu.memory_space<vmem>>, vector<16xi32>,
      %gather3A_177 = tpu.vector_load_idx %arg8[%get3A_172, %get3A_176, %iota3A] : memref<8x8x16xf32, #tpu.memory_space<vmem>>[vector<16xi32>, vector<16xi32>, vector<16xi32>], vector<16xf32>,
      %add3A_178 = arith.addf %add3A_158, %gather3A_177 : vector<16xf32>
      %get3A_179 = arith.constant 10 : i32
      %get3A_180 = arith.index_cast %get3A_179 : i32 to index
      %get3A_181 = arith.index_cast %mul3A_77 : i32 to index
      %get3A_182 = tpu.vector_load %arg7[%get3A_180, %get3A_181] {strides = array<i32>} : memref<200x512xi32, #tpu.memory_space<vmem>>, vector<16xi32>,
      %get3A_183 = arith.constant 110 : i32
      %get3A_184 = arith.index_cast %get3A_183 : i32 to index
      %get3A_185 = arith.index_cast %mul3A_77 : i32 to index
      %get3A_186 = tpu.vector_load %arg7[%get3A_184, %get3A_185] {strides = array<i32>} : memref<200x512xi32, #tpu.memory_space<vmem>>, vector<16xi32>,
      %gather3A_187 = tpu.vector_load_idx %arg8[%get3A_182, %get3A_186, %iota3A] : memref<8x8x16xf32, #tpu.memory_space<vmem>>[vector<16xi32>, vector<16xi32>, vector<16xi32>], vector<16xf32>,
      %add3A_188 = arith.addf %add3A_168, %gather3A_187 : vector<16xf32>
      %get3A_189 = arith.constant 11 : i32
      %get3A_190 = arith.index_cast %get3A_189 : i32 to index
      %get3A_191 = arith.index_cast %mul3A_77 : i32 to index
      %get3A_192 = tpu.vector_load %arg7[%get3A_190, %get3A_191] {strides = array<i32>} : memref<200x512xi32, #tpu.memory_space<vmem>>, vector<16xi32>,
      %get3A_193 = arith.constant 111 : i32
      %get3A_194 = arith.index_cast %get3A_193 : i32 to index
      %get3A_195 = arith.index_cast %mul3A_77 : i32 to index
      %get3A_196 = tpu.vector_load %arg7[%get3A_194, %get3A_195] {strides = array<i32>} : memref<200x512xi32, #tpu.memory_space<vmem>>, vector<16xi32>,
      %gather3A_197 = tpu.vector_load_idx %arg8[%get3A_192, %get3A_196, %iota3A] : memref<8x8x16xf32, #tpu.memory_space<vmem>>[vector<16xi32>, vector<16xi32>, vector<16xi32>], vector<16xf32>,
      %add3A_198 = arith.addf %add3A_178, %gather3A_197 : vector<16xf32>
      %get3A_199 = arith.constant 12 : i32
      %get3A_200 = arith.index_cast %get3A_199 : i32 to index
      %get3A_201 = arith.index_cast %mul3A_77 : i32 to index
      %get3A_202 = tpu.vector_load %arg7[%get3A_200, %get3A_201] {strides = array<i32>} : memref<200x512xi32, #tpu.memory_space<vmem>>, vector<16xi32>,
      %get3A_203 = arith.constant 112 : i32
      %get3A_204 = arith.index_cast %get3A_203 : i32 to index
      %get3A_205 = arith.index_cast %mul3A_77 : i32 to index
      %get3A_206 = tpu.vector_load %arg7[%get3A_204, %get3A_205] {strides = array<i32>} : memref<200x512xi32, #tpu.memory_space<vmem>>, vector<16xi32>,
      %gather3A_207 = tpu.vector_load_idx %arg8[%get3A_202, %get3A_206, %iota3A] : memref<8x8x16xf32, #tpu.memory_space<vmem>>[vector<16xi32>, vector<16xi32>, vector<16xi32>], vector<16xf32>,
      %add3A_208 = arith.addf %add3A_188, %gather3A_207 : vector<16xf32>
      %get3A_209 = arith.constant 13 : i32
      %get3A_210 = arith.index_cast %get3A_209 : i32 to index
      %get3A_211 = arith.index_cast %mul3A_77 : i32 to index
      %get3A_212 = tpu.vector_load %arg7[%get3A_210, %get3A_211] {strides = array<i32>} : memref<200x512xi32, #tpu.memory_space<vmem>>, vector<16xi32>,
      %get3A_213 = arith.constant 113 : i32
      %get3A_214 = arith.index_cast %get3A_213 : i32 to index
      %get3A_215 = arith.index_cast %mul3A_77 : i32 to index
      %get3A_216 = tpu.vector_load %arg7[%get3A_214, %get3A_215] {strides = array<i32>} : memref<200x512xi32, #tpu.memory_space<vmem>>, vector<16xi32>,
      %gather3A_217 = tpu.vector_load_idx %arg8[%get3A_212, %get3A_216, %iota3A] : memref<8x8x16xf32, #tpu.memory_space<vmem>>[vector<16xi32>, vector<16xi32>, vector<16xi32>], vector<16xf32>,
      %add3A_218 = arith.addf %add3A_198, %gather3A_217 : vector<16xf32>
      %get3A_219 = arith.constant 14 : i32
      %get3A_220 = arith.index_cast %get3A_219 : i32 to index
      %get3A_221 = arith.index_cast %mul3A_77 : i32 to index
      %get3A_222 = tpu.vector_load %arg7[%get3A_220, %get3A_221] {strides = array<i32>} : memref<200x512xi32, #tpu.memory_space<vmem>>, vector<16xi32>,
      %get3A_223 = arith.constant 114 : i32
      %get3A_224 = arith.index_cast %get3A_223 : i32 to index
      %get3A_225 = arith.index_cast %mul3A_77 : i32 to index
      %get3A_226 = tpu.vector_load %arg7[%get3A_224, %get3A_225] {strides = array<i32>} : memref<200x512xi32, #tpu.memory_space<vmem>>, vector<16xi32>,
      %gather3A_227 = tpu.vector_load_idx %arg8[%get3A_222, %get3A_226, %iota3A] : memref<8x8x16xf32, #tpu.memory_space<vmem>>[vector<16xi32>, vector<16xi32>, vector<16xi32>], vector<16xf32>,
      %add3A_228 = arith.addf %add3A_208, %gather3A_227 : vector<16xf32>
      %get3A_229 = arith.constant 15 : i32
      %get3A_230 = arith.index_cast %get3A_229 : i32 to index
      %get3A_231 = arith.index_cast %mul3A_77 : i32 to index
      %get3A_232 = tpu.vector_load %arg7[%get3A_230, %get3A_231] {strides = array<i32>} : memref<200x512xi32, #tpu.memory_space<vmem>>, vector<16xi32>,
      %get3A_233 = arith.constant 115 : i32
      %get3A_234 = arith.index_cast %get3A_233 : i32 to index
      %get3A_235 = arith.index_cast %mul3A_77 : i32 to index
      %get3A_236 = tpu.vector_load %arg7[%get3A_234, %get3A_235] {strides = array<i32>} : memref<200x512xi32, #tpu.memory_space<vmem>>, vector<16xi32>,
      %gather3A_237 = tpu.vector_load_idx %arg8[%get3A_232, %get3A_236, %iota3A] : memref<8x8x16xf32, #tpu.memory_space<vmem>>[vector<16xi32>, vector<16xi32>, vector<16xi32>], vector<16xf32>,
      %add3A_238 = arith.addf %add3A_218, %gather3A_237 : vector<16xf32>
      %get3A_239 = arith.constant 16 : i32
      %get3A_240 = arith.index_cast %get3A_239 : i32 to index
      %get3A_241 = arith.index_cast %mul3A_77 : i32 to index
      %get3A_242 = tpu.vector_load %arg7[%get3A_240, %get3A_241] {strides = array<i32>} : memref<200x512xi32, #tpu.memory_space<vmem>>, vector<16xi32>,
      %get3A_243 = arith.constant 116 : i32
      %get3A_244 = arith.index_cast %get3A_243 : i32 to index
      %get3A_245 = arith.index_cast %mul3A_77 : i32 to index
      %get3A_246 = tpu.vector_load %arg7[%get3A_244, %get3A_245] {strides = array<i32>} : memref<200x512xi32, #tpu.memory_space<vmem>>, vector<16xi32>,
      %gather3A_247 = tpu.vector_load_idx %arg8[%get3A_242, %get3A_246, %iota3A] : memref<8x8x16xf32, #tpu.memory_space<vmem>>[vector<16xi32>, vector<16xi32>, vector<16xi32>], vector<16xf32>,
      %add3A_248 = arith.addf %add3A_228, %gather3A_247 : vector<16xf32>
      %get3A_249 = arith.constant 17 : i32
      %get3A_250 = arith.index_cast %get3A_249 : i32 to index
      %get3A_251 = arith.index_cast %mul3A_77 : i32 to index
      %get3A_252 = tpu.vector_load %arg7[%get3A_250, %get3A_251] {strides = array<i32>} : memref<200x512xi32, #tpu.memory_space<vmem>>, vector<16xi32>,
      %get3A_253 = arith.constant 117 : i32
      %get3A_254 = arith.index_cast %get3A_253 : i32 to index
      %get3A_255 = arith.index_cast %mul3A_77 : i32 to index
      %get3A_256 = tpu.vector_load %arg7[%get3A_254, %get3A_255] {strides = array<i32>} : memref<200x512xi32, #tpu.memory_space<vmem>>, vector<16xi32>,
      %gather3A_257 = tpu.vector_load_idx %arg8[%get3A_252, %get3A_256, %iota3A] : memref<8x8x16xf32, #tpu.memory_space<vmem>>[vector<16xi32>, vector<16xi32>, vector<16xi32>], vector<16xf32>,
      %add3A_258 = arith.addf %add3A_238, %gather3A_257 : vector<16xf32>
      %get3A_259 = arith.constant 18 : i32
      %get3A_260 = arith.index_cast %get3A_259 : i32 to index
      %get3A_261 = arith.index_cast %mul3A_77 : i32 to index
      %get3A_262 = tpu.vector_load %arg7[%get3A_260, %get3A_261] {strides = array<i32>} : memref<200x512xi32, #tpu.memory_space<vmem>>, vector<16xi32>,
      %get3A_263 = arith.constant 118 : i32
      %get3A_264 = arith.index_cast %get3A_263 : i32 to index
      %get3A_265 = arith.index_cast %mul3A_77 : i32 to index
      %get3A_266 = tpu.vector_load %arg7[%get3A_264, %get3A_265] {strides = array<i32>} : memref<200x512xi32, #tpu.memory_space<vmem>>, vector<16xi32>,
      %gather3A_267 = tpu.vector_load_idx %arg8[%get3A_262, %get3A_266, %iota3A] : memref<8x8x16xf32, #tpu.memory_space<vmem>>[vector<16xi32>, vector<16xi32>, vector<16xi32>], vector<16xf32>,
      %add3A_268 = arith.addf %add3A_248, %gather3A_267 : vector<16xf32>
      %get3A_269 = arith.constant 19 : i32
      %get3A_270 = arith.index_cast %get3A_269 : i32 to index
      %get3A_271 = arith.index_cast %mul3A_77 : i32 to index
      %get3A_272 = tpu.vector_load %arg7[%get3A_270, %get3A_271] {strides = array<i32>} : memref<200x512xi32, #tpu.memory_space<vmem>>, vector<16xi32>,
      %get3A_273 = arith.constant 119 : i32
      %get3A_274 = arith.index_cast %get3A_273 : i32 to index
      %get3A_275 = arith.index_cast %mul3A_77 : i32 to index
      %get3A_276 = tpu.vector_load %arg7[%get3A_274, %get3A_275] {strides = array<i32>} : memref<200x512xi32, #tpu.memory_space<vmem>>, vector<16xi32>,
      %gather3A_277 = tpu.vector_load_idx %arg8[%get3A_272, %get3A_276, %iota3A] : memref<8x8x16xf32, #tpu.memory_space<vmem>>[vector<16xi32>, vector<16xi32>, vector<16xi32>], vector<16xf32>,
      %add3A_278 = arith.addf %add3A_258, %gather3A_277 : vector<16xf32>
      %get3A_279 = arith.constant 20 : i32
      %get3A_280 = arith.index_cast %get3A_279 : i32 to index
      %get3A_281 = arith.index_cast %mul3A_77 : i32 to index
      %get3A_282 = tpu.vector_load %arg7[%get3A_280, %get3A_281] {strides = array<i32>} : memref<200x512xi32, #tpu.memory_space<vmem>>, vector<16xi32>,
      %get3A_283 = arith.constant 120 : i32
      %get3A_284 = arith.index_cast %get3A_283 : i32 to index
      %get3A_285 = arith.index_cast %mul3A_77 : i32 to index
      %get3A_286 = tpu.vector_load %arg7[%get3A_284, %get3A_285] {strides = array<i32>} : memref<200x512xi32, #tpu.memory_space<vmem>>, vector<16xi32>,
      %gather3A_287 = tpu.vector_load_idx %arg8[%get3A_282, %get3A_286, %iota3A] : memref<8x8x16xf32, #tpu.memory_space<vmem>>[vector<16xi32>, vector<16xi32>, vector<16xi32>], vector<16xf32>,
      %add3A_288 = arith.addf %add3A_268, %gather3A_287 : vector<16xf32>
      %get3A_289 = arith.constant 21 : i32
      %get3A_290 = arith.index_cast %get3A_289 : i32 to index
      %get3A_291 = arith.index_cast %mul3A_77 : i32 to index
      %get3A_292 = tpu.vector_load %arg7[%get3A_290, %get3A_291] {strides = array<i32>} : memref<200x512xi32, #tpu.memory_space<vmem>>, vector<16xi32>,
      %get3A_293 = arith.constant 121 : i32
      %get3A_294 = arith.index_cast %get3A_293 : i32 to index
      %get3A_295 = arith.index_cast %mul3A_77 : i32 to index
      %get3A_296 = tpu.vector_load %arg7[%get3A_294, %get3A_295] {strides = array<i32>} : memref<200x512xi32, #tpu.memory_space<vmem>>, vector<16xi32>,
      %gather3A_297 = tpu.vector_load_idx %arg8[%get3A_292, %get3A_296, %iota3A] : memref<8x8x16xf32, #tpu.memory_space<vmem>>[vector<16xi32>, vector<16xi32>, vector<16xi32>], vector<16xf32>,
      %add3A_298 = arith.addf %add3A_278, %gather3A_297 : vector<16xf32>
      %get3A_299 = arith.constant 22 : i32
      %get3A_300 = arith.index_cast %get3A_299 : i32 to index
      %get3A_301 = arith.index_cast %mul3A_77 : i32 to index
      %get3A_302 = tpu.vector_load %arg7[%get3A_300, %get3A_301] {strides = array<i32>} : memref<200x512xi32, #tpu.memory_space<vmem>>, vector<16xi32>,
      %get3A_303 = arith.constant 122 : i32
      %get3A_304 = arith.index_cast %get3A_303 : i32 to index
      %get3A_305 = arith.index_cast %mul3A_77 : i32 to index
      %get3A_306 = tpu.vector_load %arg7[%get3A_304, %get3A_305] {strides = array<i32>} : memref<200x512xi32, #tpu.memory_space<vmem>>, vector<16xi32>,
      %gather3A_307 = tpu.vector_load_idx %arg8[%get3A_302, %get3A_306, %iota3A] : memref<8x8x16xf32, #tpu.memory_space<vmem>>[vector<16xi32>, vector<16xi32>, vector<16xi32>], vector<16xf32>,
      %add3A_308 = arith.addf %add3A_288, %gather3A_307 : vector<16xf32>
      %get3A_309 = arith.constant 23 : i32
      %get3A_310 = arith.index_cast %get3A_309 : i32 to index
      %get3A_311 = arith.index_cast %mul3A_77 : i32 to index
      %get3A_312 = tpu.vector_load %arg7[%get3A_310, %get3A_311] {strides = array<i32>} : memref<200x512xi32, #tpu.memory_space<vmem>>, vector<16xi32>,
      %get3A_313 = arith.constant 123 : i32
      %get3A_314 = arith.index_cast %get3A_313 : i32 to index
      %get3A_315 = arith.index_cast %mul3A_77 : i32 to index
      %get3A_316 = tpu.vector_load %arg7[%get3A_314, %get3A_315] {strides = array<i32>} : memref<200x512xi32, #tpu.memory_space<vmem>>, vector<16xi32>,
      %gather3A_317 = tpu.vector_load_idx %arg8[%get3A_312, %get3A_316, %iota3A] : memref<8x8x16xf32, #tpu.memory_space<vmem>>[vector<16xi32>, vector<16xi32>, vector<16xi32>], vector<16xf32>,
      %add3A_318 = arith.addf %add3A_298, %gather3A_317 : vector<16xf32>
      %get3A_319 = arith.constant 24 : i32
      %get3A_320 = arith.index_cast %get3A_319 : i32 to index
      %get3A_321 = arith.index_cast %mul3A_77 : i32 to index
      %get3A_322 = tpu.vector_load %arg7[%get3A_320, %get3A_321] {strides = array<i32>} : memref<200x512xi32, #tpu.memory_space<vmem>>, vector<16xi32>,
      %get3A_323 = arith.constant 124 : i32
      %get3A_324 = arith.index_cast %get3A_323 : i32 to index
      %get3A_325 = arith.index_cast %mul3A_77 : i32 to index
      %get3A_326 = tpu.vector_load %arg7[%get3A_324, %get3A_325] {strides = array<i32>} : memref<200x512xi32, #tpu.memory_space<vmem>>, vector<16xi32>,
      %gather3A_327 = tpu.vector_load_idx %arg8[%get3A_322, %get3A_326, %iota3A] : memref<8x8x16xf32, #tpu.memory_space<vmem>>[vector<16xi32>, vector<16xi32>, vector<16xi32>], vector<16xf32>,
      %add3A_328 = arith.addf %add3A_308, %gather3A_327 : vector<16xf32>
      %get3A_329 = arith.constant 25 : i32
      %get3A_330 = arith.index_cast %get3A_329 : i32 to index
      %get3A_331 = arith.index_cast %mul3A_77 : i32 to index
      %get3A_332 = tpu.vector_load %arg7[%get3A_330, %get3A_331] {strides = array<i32>} : memref<200x512xi32, #tpu.memory_space<vmem>>, vector<16xi32>,
      %get3A_333 = arith.constant 125 : i32
      %get3A_334 = arith.index_cast %get3A_333 : i32 to index
      %get3A_335 = arith.index_cast %mul3A_77 : i32 to index
      %get3A_336 = tpu.vector_load %arg7[%get3A_334, %get3A_335] {strides = array<i32>} : memref<200x512xi32, #tpu.memory_space<vmem>>, vector<16xi32>,
      %gather3A_337 = tpu.vector_load_idx %arg8[%get3A_332, %get3A_336, %iota3A] : memref<8x8x16xf32, #tpu.memory_space<vmem>>[vector<16xi32>, vector<16xi32>, vector<16xi32>], vector<16xf32>,
      %add3A_338 = arith.addf %add3A_318, %gather3A_337 : vector<16xf32>
      %get3A_339 = arith.constant 26 : i32
      %get3A_340 = arith.index_cast %get3A_339 : i32 to index
      %get3A_341 = arith.index_cast %mul3A_77 : i32 to index
      %get3A_342 = tpu.vector_load %arg7[%get3A_340, %get3A_341] {strides = array<i32>} : memref<200x512xi32, #tpu.memory_space<vmem>>, vector<16xi32>,
      %get3A_343 = arith.constant 126 : i32
      %get3A_344 = arith.index_cast %get3A_343 : i32 to index
      %get3A_345 = arith.index_cast %mul3A_77 : i32 to index
      %get3A_346 = tpu.vector_load %arg7[%get3A_344, %get3A_345] {strides = array<i32>} : memref<200x512xi32, #tpu.memory_space<vmem>>, vector<16xi32>,
      %gather3A_347 = tpu.vector_load_idx %arg8[%get3A_342, %get3A_346, %iota3A] : memref<8x8x16xf32, #tpu.memory_space<vmem>>[vector<16xi32>, vector<16xi32>, vector<16xi32>], vector<16xf32>,
      %add3A_348 = arith.addf %add3A_328, %gather3A_347 : vector<16xf32>
      %get3A_349 = arith.constant 27 : i32
      %get3A_350 = arith.index_cast %get3A_349 : i32 to index
      %get3A_351 = arith.index_cast %mul3A_77 : i32 to index
      %get3A_352 = tpu.vector_load %arg7[%get3A_350, %get3A_351] {strides = array<i32>} : memref<200x512xi32, #tpu.memory_space<vmem>>, vector<16xi32>,
      %get3A_353 = arith.constant 127 : i32
      %get3A_354 = arith.index_cast %get3A_353 : i32 to index
      %get3A_355 = arith.index_cast %mul3A_77 : i32 to index
      %get3A_356 = tpu.vector_load %arg7[%get3A_354, %get3A_355] {strides = array<i32>} : memref<200x512xi32, #tpu.memory_space<vmem>>, vector<16xi32>,
      %gather3A_357 = tpu.vector_load_idx %arg8[%get3A_352, %get3A_356, %iota3A] : memref<8x8x16xf32, #tpu.memory_space<vmem>>[vector<16xi32>, vector<16xi32>, vector<16xi32>], vector<16xf32>,
      %add3A_358 = arith.addf %add3A_338, %gather3A_357 : vector<16xf32>
      %get3A_359 = arith.constant 28 : i32
      %get3A_360 = arith.index_cast %get3A_359 : i32 to index
      %get3A_361 = arith.index_cast %mul3A_77 : i32 to index
      %get3A_362 = tpu.vector_load %arg7[%get3A_360, %get3A_361] {strides = array<i32>} : memref<200x512xi32, #tpu.memory_space<vmem>>, vector<16xi32>,
      %get3A_363 = arith.constant 128 : i32
      %get3A_364 = arith.index_cast %get3A_363 : i32 to index
      %get3A_365 = arith.index_cast %mul3A_77 : i32 to index
      %get3A_366 = tpu.vector_load %arg7[%get3A_364, %get3A_365] {strides = array<i32>} : memref<200x512xi32, #tpu.memory_space<vmem>>, vector<16xi32>,
      %gather3A_367 = tpu.vector_load_idx %arg8[%get3A_362, %get3A_366, %iota3A] : memref<8x8x16xf32, #tpu.memory_space<vmem>>[vector<16xi32>, vector<16xi32>, vector<16xi32>], vector<16xf32>,
      %add3A_368 = arith.addf %add3A_348, %gather3A_367 : vector<16xf32>
      %get3A_369 = arith.constant 29 : i32
      %get3A_370 = arith.index_cast %get3A_369 : i32 to index
      %get3A_371 = arith.index_cast %mul3A_77 : i32 to index
      %get3A_372 = tpu.vector_load %arg7[%get3A_370, %get3A_371] {strides = array<i32>} : memref<200x512xi32, #tpu.memory_space<vmem>>, vector<16xi32>,
      %get3A_373 = arith.constant 129 : i32
      %get3A_374 = arith.index_cast %get3A_373 : i32 to index
      %get3A_375 = arith.index_cast %mul3A_77 : i32 to index
      %get3A_376 = tpu.vector_load %arg7[%get3A_374, %get3A_375] {strides = array<i32>} : memref<200x512xi32, #tpu.memory_space<vmem>>, vector<16xi32>,
      %gather3A_377 = tpu.vector_load_idx %arg8[%get3A_372, %get3A_376, %iota3A] : memref<8x8x16xf32, #tpu.memory_space<vmem>>[vector<16xi32>, vector<16xi32>, vector<16xi32>], vector<16xf32>,
      %add3A_378 = arith.addf %add3A_358, %gather3A_377 : vector<16xf32>
      %get3A_379 = arith.constant 30 : i32
      %get3A_380 = arith.index_cast %get3A_379 : i32 to index
      %get3A_381 = arith.index_cast %mul3A_77 : i32 to index
      %get3A_382 = tpu.vector_load %arg7[%get3A_380, %get3A_381] {strides = array<i32>} : memref<200x512xi32, #tpu.memory_space<vmem>>, vector<16xi32>,
      %get3A_383 = arith.constant 130 : i32
      %get3A_384 = arith.index_cast %get3A_383 : i32 to index
      %get3A_385 = arith.index_cast %mul3A_77 : i32 to index
      %get3A_386 = tpu.vector_load %arg7[%get3A_384, %get3A_385] {strides = array<i32>} : memref<200x512xi32, #tpu.memory_space<vmem>>, vector<16xi32>,
      %gather3A_387 = tpu.vector_load_idx %arg8[%get3A_382, %get3A_386, %iota3A] : memref<8x8x16xf32, #tpu.memory_space<vmem>>[vector<16xi32>, vector<16xi32>, vector<16xi32>], vector<16xf32>,
      %add3A_388 = arith.addf %add3A_368, %gather3A_387 : vector<16xf32>
      %get3A_389 = arith.constant 31 : i32
      %get3A_390 = arith.index_cast %get3A_389 : i32 to index
      %get3A_391 = arith.index_cast %mul3A_77 : i32 to index
      %get3A_392 = tpu.vector_load %arg7[%get3A_390, %get3A_391] {strides = array<i32>} : memref<200x512xi32, #tpu.memory_space<vmem>>, vector<16xi32>,
      %get3A_393 = arith.constant 131 : i32
      %get3A_394 = arith.index_cast %get3A_393 : i32 to index
      %get3A_395 = arith.index_cast %mul3A_77 : i32 to index
      %get3A_396 = tpu.vector_load %arg7[%get3A_394, %get3A_395] {strides = array<i32>} : memref<200x512xi32, #tpu.memory_space<vmem>>, vector<16xi32>,
      %gather3A_397 = tpu.vector_load_idx %arg8[%get3A_392, %get3A_396, %iota3A] : memref<8x8x16xf32, #tpu.memory_space<vmem>>[vector<16xi32>, vector<16xi32>, vector<16xi32>], vector<16xf32>,
      %add3A_398 = arith.addf %add3A_378, %gather3A_397 : vector<16xf32>
      %get3A_399 = arith.constant 32 : i32
      %get3A_400 = arith.index_cast %get3A_399 : i32 to index
      %get3A_401 = arith.index_cast %mul3A_77 : i32 to index
      %get3A_402 = tpu.vector_load %arg7[%get3A_400, %get3A_401] {strides = array<i32>} : memref<200x512xi32, #tpu.memory_space<vmem>>, vector<16xi32>,
      %get3A_403 = arith.constant 132 : i32
      %get3A_404 = arith.index_cast %get3A_403 : i32 to index
      %get3A_405 = arith.index_cast %mul3A_77 : i32 to index
      %get3A_406 = tpu.vector_load %arg7[%get3A_404, %get3A_405] {strides = array<i32>} : memref<200x512xi32, #tpu.memory_space<vmem>>, vector<16xi32>,
      %gather3A_407 = tpu.vector_load_idx %arg8[%get3A_402, %get3A_406, %iota3A] : memref<8x8x16xf32, #tpu.memory_space<vmem>>[vector<16xi32>, vector<16xi32>, vector<16xi32>], vector<16xf32>,
      %add3A_408 = arith.addf %add3A_388, %gather3A_407 : vector<16xf32>
      %get3A_409 = arith.constant 33 : i32
      %get3A_410 = arith.index_cast %get3A_409 : i32 to index
      %get3A_411 = arith.index_cast %mul3A_77 : i32 to index
      %get3A_412 = tpu.vector_load %arg7[%get3A_410, %get3A_411] {strides = array<i32>} : memref<200x512xi32, #tpu.memory_space<vmem>>, vector<16xi32>,
      %get3A_413 = arith.constant 133 : i32
      %get3A_414 = arith.index_cast %get3A_413 : i32 to index
      %get3A_415 = arith.index_cast %mul3A_77 : i32 to index
      %get3A_416 = tpu.vector_load %arg7[%get3A_414, %get3A_415] {strides = array<i32>} : memref<200x512xi32, #tpu.memory_space<vmem>>, vector<16xi32>,
      %gather3A_417 = tpu.vector_load_idx %arg8[%get3A_412, %get3A_416, %iota3A] : memref<8x8x16xf32, #tpu.memory_space<vmem>>[vector<16xi32>, vector<16xi32>, vector<16xi32>], vector<16xf32>,
      %add3A_418 = arith.addf %add3A_398, %gather3A_417 : vector<16xf32>
      %get3A_419 = arith.constant 34 : i32
      %get3A_420 = arith.index_cast %get3A_419 : i32 to index
      %get3A_421 = arith.index_cast %mul3A_77 : i32 to index
      %get3A_422 = tpu.vector_load %arg7[%get3A_420, %get3A_421] {strides = array<i32>} : memref<200x512xi32, #tpu.memory_space<vmem>>, vector<16xi32>,
      %get3A_423 = arith.constant 134 : i32
      %get3A_424 = arith.index_cast %get3A_423 : i32 to index
      %get3A_425 = arith.index_cast %mul3A_77 : i32 to index
      %get3A_426 = tpu.vector_load %arg7[%get3A_424, %get3A_425] {strides = array<i32>} : memref<200x512xi32, #tpu.memory_space<vmem>>, vector<16xi32>,
      %gather3A_427 = tpu.vector_load_idx %arg8[%get3A_422, %get3A_426, %iota3A] : memref<8x8x16xf32, #tpu.memory_space<vmem>>[vector<16xi32>, vector<16xi32>, vector<16xi32>], vector<16xf32>,
      %add3A_428 = arith.addf %add3A_408, %gather3A_427 : vector<16xf32>
      %get3A_429 = arith.constant 35 : i32
      %get3A_430 = arith.index_cast %get3A_429 : i32 to index
      %get3A_431 = arith.index_cast %mul3A_77 : i32 to index
      %get3A_432 = tpu.vector_load %arg7[%get3A_430, %get3A_431] {strides = array<i32>} : memref<200x512xi32, #tpu.memory_space<vmem>>, vector<16xi32>,
      %get3A_433 = arith.constant 135 : i32
      %get3A_434 = arith.index_cast %get3A_433 : i32 to index
      %get3A_435 = arith.index_cast %mul3A_77 : i32 to index
      %get3A_436 = tpu.vector_load %arg7[%get3A_434, %get3A_435] {strides = array<i32>} : memref<200x512xi32, #tpu.memory_space<vmem>>, vector<16xi32>,
      %gather3A_437 = tpu.vector_load_idx %arg8[%get3A_432, %get3A_436, %iota3A] : memref<8x8x16xf32, #tpu.memory_space<vmem>>[vector<16xi32>, vector<16xi32>, vector<16xi32>], vector<16xf32>,
      %add3A_438 = arith.addf %add3A_418, %gather3A_437 : vector<16xf32>
      %get3A_439 = arith.constant 36 : i32
      %get3A_440 = arith.index_cast %get3A_439 : i32 to index
      %get3A_441 = arith.index_cast %mul3A_77 : i32 to index
      %get3A_442 = tpu.vector_load %arg7[%get3A_440, %get3A_441] {strides = array<i32>} : memref<200x512xi32, #tpu.memory_space<vmem>>, vector<16xi32>,
      %get3A_443 = arith.constant 136 : i32
      %get3A_444 = arith.index_cast %get3A_443 : i32 to index
      %get3A_445 = arith.index_cast %mul3A_77 : i32 to index
      %get3A_446 = tpu.vector_load %arg7[%get3A_444, %get3A_445] {strides = array<i32>} : memref<200x512xi32, #tpu.memory_space<vmem>>, vector<16xi32>,
      %gather3A_447 = tpu.vector_load_idx %arg8[%get3A_442, %get3A_446, %iota3A] : memref<8x8x16xf32, #tpu.memory_space<vmem>>[vector<16xi32>, vector<16xi32>, vector<16xi32>], vector<16xf32>,
      %add3A_448 = arith.addf %add3A_428, %gather3A_447 : vector<16xf32>
      %get3A_449 = arith.constant 37 : i32
      %get3A_450 = arith.index_cast %get3A_449 : i32 to index
      %get3A_451 = arith.index_cast %mul3A_77 : i32 to index
      %get3A_452 = tpu.vector_load %arg7[%get3A_450, %get3A_451] {strides = array<i32>} : memref<200x512xi32, #tpu.memory_space<vmem>>, vector<16xi32>,
      %get3A_453 = arith.constant 137 : i32
      %get3A_454 = arith.index_cast %get3A_453 : i32 to index
      %get3A_455 = arith.index_cast %mul3A_77 : i32 to index
      %get3A_456 = tpu.vector_load %arg7[%get3A_454, %get3A_455] {strides = array<i32>} : memref<200x512xi32, #tpu.memory_space<vmem>>, vector<16xi32>,
      %gather3A_457 = tpu.vector_load_idx %arg8[%get3A_452, %get3A_456, %iota3A] : memref<8x8x16xf32, #tpu.memory_space<vmem>>[vector<16xi32>, vector<16xi32>, vector<16xi32>], vector<16xf32>,
      %add3A_458 = arith.addf %add3A_438, %gather3A_457 : vector<16xf32>
      %get3A_459 = arith.constant 38 : i32
      %get3A_460 = arith.index_cast %get3A_459 : i32 to index
      %get3A_461 = arith.index_cast %mul3A_77 : i32 to index
      %get3A_462 = tpu.vector_load %arg7[%get3A_460, %get3A_461] {strides = array<i32>} : memref<200x512xi32, #tpu.memory_space<vmem>>, vector<16xi32>,
      %get3A_463 = arith.constant 138 : i32
      %get3A_464 = arith.index_cast %get3A_463 : i32 to index
      %get3A_465 = arith.index_cast %mul3A_77 : i32 to index
      %get3A_466 = tpu.vector_load %arg7[%get3A_464, %get3A_465] {strides = array<i32>} : memref<200x512xi32, #tpu.memory_space<vmem>>, vector<16xi32>,
      %gather3A_467 = tpu.vector_load_idx %arg8[%get3A_462, %get3A_466, %iota3A] : memref<8x8x16xf32, #tpu.memory_space<vmem>>[vector<16xi32>, vector<16xi32>, vector<16xi32>], vector<16xf32>,
      %add3A_468 = arith.addf %add3A_448, %gather3A_467 : vector<16xf32>
      %get3A_469 = arith.constant 39 : i32
      %get3A_470 = arith.index_cast %get3A_469 : i32 to index
      %get3A_471 = arith.index_cast %mul3A_77 : i32 to index
      %get3A_472 = tpu.vector_load %arg7[%get3A_470, %get3A_471] {strides = array<i32>} : memref<200x512xi32, #tpu.memory_space<vmem>>, vector<16xi32>,
      %get3A_473 = arith.constant 139 : i32
      %get3A_474 = arith.index_cast %get3A_473 : i32 to index
      %get3A_475 = arith.index_cast %mul3A_77 : i32 to index
      %get3A_476 = tpu.vector_load %arg7[%get3A_474, %get3A_475] {strides = array<i32>} : memref<200x512xi32, #tpu.memory_space<vmem>>, vector<16xi32>,
      %gather3A_477 = tpu.vector_load_idx %arg8[%get3A_472, %get3A_476, %iota3A] : memref<8x8x16xf32, #tpu.memory_space<vmem>>[vector<16xi32>, vector<16xi32>, vector<16xi32>], vector<16xf32>,
      %add3A_478 = arith.addf %add3A_458, %gather3A_477 : vector<16xf32>
      %get3A_479 = arith.constant 40 : i32
      %get3A_480 = arith.index_cast %get3A_479 : i32 to index
      %get3A_481 = arith.index_cast %mul3A_77 : i32 to index
      %get3A_482 = tpu.vector_load %arg7[%get3A_480, %get3A_481] {strides = array<i32>} : memref<200x512xi32, #tpu.memory_space<vmem>>, vector<16xi32>,
      %get3A_483 = arith.constant 140 : i32
      %get3A_484 = arith.index_cast %get3A_483 : i32 to index
      %get3A_485 = arith.index_cast %mul3A_77 : i32 to index
      %get3A_486 = tpu.vector_load %arg7[%get3A_484, %get3A_485] {strides = array<i32>} : memref<200x512xi32, #tpu.memory_space<vmem>>, vector<16xi32>,
      %gather3A_487 = tpu.vector_load_idx %arg8[%get3A_482, %get3A_486, %iota3A] : memref<8x8x16xf32, #tpu.memory_space<vmem>>[vector<16xi32>, vector<16xi32>, vector<16xi32>], vector<16xf32>,
      %add3A_488 = arith.addf %add3A_468, %gather3A_487 : vector<16xf32>
      %get3A_489 = arith.constant 41 : i32
      %get3A_490 = arith.index_cast %get3A_489 : i32 to index
      %get3A_491 = arith.index_cast %mul3A_77 : i32 to index
      %get3A_492 = tpu.vector_load %arg7[%get3A_490, %get3A_491] {strides = array<i32>} : memref<200x512xi32, #tpu.memory_space<vmem>>, vector<16xi32>,
      %get3A_493 = arith.constant 141 : i32
      %get3A_494 = arith.index_cast %get3A_493 : i32 to index
      %get3A_495 = arith.index_cast %mul3A_77 : i32 to index
      %get3A_496 = tpu.vector_load %arg7[%get3A_494, %get3A_495] {strides = array<i32>} : memref<200x512xi32, #tpu.memory_space<vmem>>, vector<16xi32>,
      %gather3A_497 = tpu.vector_load_idx %arg8[%get3A_492, %get3A_496, %iota3A] : memref<8x8x16xf32, #tpu.memory_space<vmem>>[vector<16xi32>, vector<16xi32>, vector<16xi32>], vector<16xf32>,
      %add3A_498 = arith.addf %add3A_478, %gather3A_497 : vector<16xf32>
      %get3A_499 = arith.constant 42 : i32
      %get3A_500 = arith.index_cast %get3A_499 : i32 to index
      %get3A_501 = arith.index_cast %mul3A_77 : i32 to index
      %get3A_502 = tpu.vector_load %arg7[%get3A_500, %get3A_501] {strides = array<i32>} : memref<200x512xi32, #tpu.memory_space<vmem>>, vector<16xi32>,
      %get3A_503 = arith.constant 142 : i32
      %get3A_504 = arith.index_cast %get3A_503 : i32 to index
      %get3A_505 = arith.index_cast %mul3A_77 : i32 to index
      %get3A_506 = tpu.vector_load %arg7[%get3A_504, %get3A_505] {strides = array<i32>} : memref<200x512xi32, #tpu.memory_space<vmem>>, vector<16xi32>,
      %gather3A_507 = tpu.vector_load_idx %arg8[%get3A_502, %get3A_506, %iota3A] : memref<8x8x16xf32, #tpu.memory_space<vmem>>[vector<16xi32>, vector<16xi32>, vector<16xi32>], vector<16xf32>,
      %add3A_508 = arith.addf %add3A_488, %gather3A_507 : vector<16xf32>
      %get3A_509 = arith.constant 43 : i32
      %get3A_510 = arith.index_cast %get3A_509 : i32 to index
      %get3A_511 = arith.index_cast %mul3A_77 : i32 to index
      %get3A_512 = tpu.vector_load %arg7[%get3A_510, %get3A_511] {strides = array<i32>} : memref<200x512xi32, #tpu.memory_space<vmem>>, vector<16xi32>,
      %get3A_513 = arith.constant 143 : i32
      %get3A_514 = arith.index_cast %get3A_513 : i32 to index
      %get3A_515 = arith.index_cast %mul3A_77 : i32 to index
      %get3A_516 = tpu.vector_load %arg7[%get3A_514, %get3A_515] {strides = array<i32>} : memref<200x512xi32, #tpu.memory_space<vmem>>, vector<16xi32>,
      %gather3A_517 = tpu.vector_load_idx %arg8[%get3A_512, %get3A_516, %iota3A] : memref<8x8x16xf32, #tpu.memory_space<vmem>>[vector<16xi32>, vector<16xi32>, vector<16xi32>], vector<16xf32>,
      %add3A_518 = arith.addf %add3A_498, %gather3A_517 : vector<16xf32>
      %get3A_519 = arith.constant 44 : i32
      %get3A_520 = arith.index_cast %get3A_519 : i32 to index
      %get3A_521 = arith.index_cast %mul3A_77 : i32 to index
      %get3A_522 = tpu.vector_load %arg7[%get3A_520, %get3A_521] {strides = array<i32>} : memref<200x512xi32, #tpu.memory_space<vmem>>, vector<16xi32>,
      %get3A_523 = arith.constant 144 : i32
      %get3A_524 = arith.index_cast %get3A_523 : i32 to index
      %get3A_525 = arith.index_cast %mul3A_77 : i32 to index
      %get3A_526 = tpu.vector_load %arg7[%get3A_524, %get3A_525] {strides = array<i32>} : memref<200x512xi32, #tpu.memory_space<vmem>>, vector<16xi32>,
      %gather3A_527 = tpu.vector_load_idx %arg8[%get3A_522, %get3A_526, %iota3A] : memref<8x8x16xf32, #tpu.memory_space<vmem>>[vector<16xi32>, vector<16xi32>, vector<16xi32>], vector<16xf32>,
      %add3A_528 = arith.addf %add3A_508, %gather3A_527 : vector<16xf32>
      %get3A_529 = arith.constant 45 : i32
      %get3A_530 = arith.index_cast %get3A_529 : i32 to index
      %get3A_531 = arith.index_cast %mul3A_77 : i32 to index
      %get3A_532 = tpu.vector_load %arg7[%get3A_530, %get3A_531] {strides = array<i32>} : memref<200x512xi32, #tpu.memory_space<vmem>>, vector<16xi32>,
      %get3A_533 = arith.constant 145 : i32
      %get3A_534 = arith.index_cast %get3A_533 : i32 to index
      %get3A_535 = arith.index_cast %mul3A_77 : i32 to index
      %get3A_536 = tpu.vector_load %arg7[%get3A_534, %get3A_535] {strides = array<i32>} : memref<200x512xi32, #tpu.memory_space<vmem>>, vector<16xi32>,
      %gather3A_537 = tpu.vector_load_idx %arg8[%get3A_532, %get3A_536, %iota3A] : memref<8x8x16xf32, #tpu.memory_space<vmem>>[vector<16xi32>, vector<16xi32>, vector<16xi32>], vector<16xf32>,
      %add3A_538 = arith.addf %add3A_518, %gather3A_537 : vector<16xf32>
      %get3A_539 = arith.constant 46 : i32
      %get3A_540 = arith.index_cast %get3A_539 : i32 to index
      %get3A_541 = arith.index_cast %mul3A_77 : i32 to index
      %get3A_542 = tpu.vector_load %arg7[%get3A_540, %get3A_541] {strides = array<i32>} : memref<200x512xi32, #tpu.memory_space<vmem>>, vector<16xi32>,
      %get3A_543 = arith.constant 146 : i32
      %get3A_544 = arith.index_cast %get3A_543 : i32 to index
      %get3A_545 = arith.index_cast %mul3A_77 : i32 to index
      %get3A_546 = tpu.vector_load %arg7[%get3A_544, %get3A_545] {strides = array<i32>} : memref<200x512xi32, #tpu.memory_space<vmem>>, vector<16xi32>,
      %gather3A_547 = tpu.vector_load_idx %arg8[%get3A_542, %get3A_546, %iota3A] : memref<8x8x16xf32, #tpu.memory_space<vmem>>[vector<16xi32>, vector<16xi32>, vector<16xi32>], vector<16xf32>,
      %add3A_548 = arith.addf %add3A_528, %gather3A_547 : vector<16xf32>
      %get3A_549 = arith.constant 47 : i32
      %get3A_550 = arith.index_cast %get3A_549 : i32 to index
      %get3A_551 = arith.index_cast %mul3A_77 : i32 to index
      %get3A_552 = tpu.vector_load %arg7[%get3A_550, %get3A_551] {strides = array<i32>} : memref<200x512xi32, #tpu.memory_space<vmem>>, vector<16xi32>,
      %get3A_553 = arith.constant 147 : i32
      %get3A_554 = arith.index_cast %get3A_553 : i32 to index
      %get3A_555 = arith.index_cast %mul3A_77 : i32 to index
      %get3A_556 = tpu.vector_load %arg7[%get3A_554, %get3A_555] {strides = array<i32>} : memref<200x512xi32, #tpu.memory_space<vmem>>, vector<16xi32>,
      %gather3A_557 = tpu.vector_load_idx %arg8[%get3A_552, %get3A_556, %iota3A] : memref<8x8x16xf32, #tpu.memory_space<vmem>>[vector<16xi32>, vector<16xi32>, vector<16xi32>], vector<16xf32>,
      %add3A_558 = arith.addf %add3A_538, %gather3A_557 : vector<16xf32>
      %get3A_559 = arith.constant 48 : i32
      %get3A_560 = arith.index_cast %get3A_559 : i32 to index
      %get3A_561 = arith.index_cast %mul3A_77 : i32 to index
      %get3A_562 = tpu.vector_load %arg7[%get3A_560, %get3A_561] {strides = array<i32>} : memref<200x512xi32, #tpu.memory_space<vmem>>, vector<16xi32>,
      %get3A_563 = arith.constant 148 : i32
      %get3A_564 = arith.index_cast %get3A_563 : i32 to index
      %get3A_565 = arith.index_cast %mul3A_77 : i32 to index
      %get3A_566 = tpu.vector_load %arg7[%get3A_564, %get3A_565] {strides = array<i32>} : memref<200x512xi32, #tpu.memory_space<vmem>>, vector<16xi32>,
      %gather3A_567 = tpu.vector_load_idx %arg8[%get3A_562, %get3A_566, %iota3A] : memref<8x8x16xf32, #tpu.memory_space<vmem>>[vector<16xi32>, vector<16xi32>, vector<16xi32>], vector<16xf32>,
      %add3A_568 = arith.addf %add3A_548, %gather3A_567 : vector<16xf32>
      %get3A_569 = arith.constant 49 : i32
      %get3A_570 = arith.index_cast %get3A_569 : i32 to index
      %get3A_571 = arith.index_cast %mul3A_77 : i32 to index
      %get3A_572 = tpu.vector_load %arg7[%get3A_570, %get3A_571] {strides = array<i32>} : memref<200x512xi32, #tpu.memory_space<vmem>>, vector<16xi32>,
      %get3A_573 = arith.constant 149 : i32
      %get3A_574 = arith.index_cast %get3A_573 : i32 to index
      %get3A_575 = arith.index_cast %mul3A_77 : i32 to index
      %get3A_576 = tpu.vector_load %arg7[%get3A_574, %get3A_575] {strides = array<i32>} : memref<200x512xi32, #tpu.memory_space<vmem>>, vector<16xi32>,
      %gather3A_577 = tpu.vector_load_idx %arg8[%get3A_572, %get3A_576, %iota3A] : memref<8x8x16xf32, #tpu.memory_space<vmem>>[vector<16xi32>, vector<16xi32>, vector<16xi32>], vector<16xf32>,
      %add3A_578 = arith.addf %add3A_558, %gather3A_577 : vector<16xf32>
      %get3A_579 = arith.constant 50 : i32
      %get3A_580 = arith.index_cast %get3A_579 : i32 to index
      %get3A_581 = arith.index_cast %mul3A_77 : i32 to index
      %get3A_582 = tpu.vector_load %arg7[%get3A_580, %get3A_581] {strides = array<i32>} : memref<200x512xi32, #tpu.memory_space<vmem>>, vector<16xi32>,
      %get3A_583 = arith.constant 150 : i32
      %get3A_584 = arith.index_cast %get3A_583 : i32 to index
      %get3A_585 = arith.index_cast %mul3A_77 : i32 to index
      %get3A_586 = tpu.vector_load %arg7[%get3A_584, %get3A_585] {strides = array<i32>} : memref<200x512xi32, #tpu.memory_space<vmem>>, vector<16xi32>,
      %gather3A_587 = tpu.vector_load_idx %arg8[%get3A_582, %get3A_586, %iota3A] : memref<8x8x16xf32, #tpu.memory_space<vmem>>[vector<16xi32>, vector<16xi32>, vector<16xi32>], vector<16xf32>,
      %add3A_588 = arith.addf %add3A_568, %gather3A_587 : vector<16xf32>
      %get3A_589 = arith.constant 51 : i32
      %get3A_590 = arith.index_cast %get3A_589 : i32 to index
      %get3A_591 = arith.index_cast %mul3A_77 : i32 to index
      %get3A_592 = tpu.vector_load %arg7[%get3A_590, %get3A_591] {strides = array<i32>} : memref<200x512xi32, #tpu.memory_space<vmem>>, vector<16xi32>,
      %get3A_593 = arith.constant 151 : i32
      %get3A_594 = arith.index_cast %get3A_593 : i32 to index
      %get3A_595 = arith.index_cast %mul3A_77 : i32 to index
      %get3A_596 = tpu.vector_load %arg7[%get3A_594, %get3A_595] {strides = array<i32>} : memref<200x512xi32, #tpu.memory_space<vmem>>, vector<16xi32>,
      %gather3A_597 = tpu.vector_load_idx %arg8[%get3A_592, %get3A_596, %iota3A] : memref<8x8x16xf32, #tpu.memory_space<vmem>>[vector<16xi32>, vector<16xi32>, vector<16xi32>], vector<16xf32>,
      %add3A_598 = arith.addf %add3A_578, %gather3A_597 : vector<16xf32>
      %get3A_599 = arith.constant 52 : i32
      %get3A_600 = arith.index_cast %get3A_599 : i32 to index
      %get3A_601 = arith.index_cast %mul3A_77 : i32 to index
      %get3A_602 = tpu.vector_load %arg7[%get3A_600, %get3A_601] {strides = array<i32>} : memref<200x512xi32, #tpu.memory_space<vmem>>, vector<16xi32>,
      %get3A_603 = arith.constant 152 : i32
      %get3A_604 = arith.index_cast %get3A_603 : i32 to index
      %get3A_605 = arith.index_cast %mul3A_77 : i32 to index
      %get3A_606 = tpu.vector_load %arg7[%get3A_604, %get3A_605] {strides = array<i32>} : memref<200x512xi32, #tpu.memory_space<vmem>>, vector<16xi32>,
      %gather3A_607 = tpu.vector_load_idx %arg8[%get3A_602, %get3A_606, %iota3A] : memref<8x8x16xf32, #tpu.memory_space<vmem>>[vector<16xi32>, vector<16xi32>, vector<16xi32>], vector<16xf32>,
      %add3A_608 = arith.addf %add3A_588, %gather3A_607 : vector<16xf32>
      %get3A_609 = arith.constant 53 : i32
      %get3A_610 = arith.index_cast %get3A_609 : i32 to index
      %get3A_611 = arith.index_cast %mul3A_77 : i32 to index
      %get3A_612 = tpu.vector_load %arg7[%get3A_610, %get3A_611] {strides = array<i32>} : memref<200x512xi32, #tpu.memory_space<vmem>>, vector<16xi32>,
      %get3A_613 = arith.constant 153 : i32
      %get3A_614 = arith.index_cast %get3A_613 : i32 to index
      %get3A_615 = arith.index_cast %mul3A_77 : i32 to index
      %get3A_616 = tpu.vector_load %arg7[%get3A_614, %get3A_615] {strides = array<i32>} : memref<200x512xi32, #tpu.memory_space<vmem>>, vector<16xi32>,
      %gather3A_617 = tpu.vector_load_idx %arg8[%get3A_612, %get3A_616, %iota3A] : memref<8x8x16xf32, #tpu.memory_space<vmem>>[vector<16xi32>, vector<16xi32>, vector<16xi32>], vector<16xf32>,
      %add3A_618 = arith.addf %add3A_598, %gather3A_617 : vector<16xf32>
      %get3A_619 = arith.constant 54 : i32
      %get3A_620 = arith.index_cast %get3A_619 : i32 to index
      %get3A_621 = arith.index_cast %mul3A_77 : i32 to index
      %get3A_622 = tpu.vector_load %arg7[%get3A_620, %get3A_621] {strides = array<i32>} : memref<200x512xi32, #tpu.memory_space<vmem>>, vector<16xi32>,
      %get3A_623 = arith.constant 154 : i32
      %get3A_624 = arith.index_cast %get3A_623 : i32 to index
      %get3A_625 = arith.index_cast %mul3A_77 : i32 to index
      %get3A_626 = tpu.vector_load %arg7[%get3A_624, %get3A_625] {strides = array<i32>} : memref<200x512xi32, #tpu.memory_space<vmem>>, vector<16xi32>,
      %gather3A_627 = tpu.vector_load_idx %arg8[%get3A_622, %get3A_626, %iota3A] : memref<8x8x16xf32, #tpu.memory_space<vmem>>[vector<16xi32>, vector<16xi32>, vector<16xi32>], vector<16xf32>,
      %add3A_628 = arith.addf %add3A_608, %gather3A_627 : vector<16xf32>
      %get3A_629 = arith.constant 55 : i32
      %get3A_630 = arith.index_cast %get3A_629 : i32 to index
      %get3A_631 = arith.index_cast %mul3A_77 : i32 to index
      %get3A_632 = tpu.vector_load %arg7[%get3A_630, %get3A_631] {strides = array<i32>} : memref<200x512xi32, #tpu.memory_space<vmem>>, vector<16xi32>,
      %get3A_633 = arith.constant 155 : i32
      %get3A_634 = arith.index_cast %get3A_633 : i32 to index
      %get3A_635 = arith.index_cast %mul3A_77 : i32 to index
      %get3A_636 = tpu.vector_load %arg7[%get3A_634, %get3A_635] {strides = array<i32>} : memref<200x512xi32, #tpu.memory_space<vmem>>, vector<16xi32>,
      %gather3A_637 = tpu.vector_load_idx %arg8[%get3A_632, %get3A_636, %iota3A] : memref<8x8x16xf32, #tpu.memory_space<vmem>>[vector<16xi32>, vector<16xi32>, vector<16xi32>], vector<16xf32>,
      %add3A_638 = arith.addf %add3A_618, %gather3A_637 : vector<16xf32>
      %get3A_639 = arith.constant 56 : i32
      %get3A_640 = arith.index_cast %get3A_639 : i32 to index
      %get3A_641 = arith.index_cast %mul3A_77 : i32 to index
      %get3A_642 = tpu.vector_load %arg7[%get3A_640, %get3A_641] {strides = array<i32>} : memref<200x512xi32, #tpu.memory_space<vmem>>, vector<16xi32>,
      %get3A_643 = arith.constant 156 : i32
      %get3A_644 = arith.index_cast %get3A_643 : i32 to index
      %get3A_645 = arith.index_cast %mul3A_77 : i32 to index
      %get3A_646 = tpu.vector_load %arg7[%get3A_644, %get3A_645] {strides = array<i32>} : memref<200x512xi32, #tpu.memory_space<vmem>>, vector<16xi32>,
      %gather3A_647 = tpu.vector_load_idx %arg8[%get3A_642, %get3A_646, %iota3A] : memref<8x8x16xf32, #tpu.memory_space<vmem>>[vector<16xi32>, vector<16xi32>, vector<16xi32>], vector<16xf32>,
      %add3A_648 = arith.addf %add3A_628, %gather3A_647 : vector<16xf32>
      %get3A_649 = arith.constant 57 : i32
      %get3A_650 = arith.index_cast %get3A_649 : i32 to index
      %get3A_651 = arith.index_cast %mul3A_77 : i32 to index
      %get3A_652 = tpu.vector_load %arg7[%get3A_650, %get3A_651] {strides = array<i32>} : memref<200x512xi32, #tpu.memory_space<vmem>>, vector<16xi32>,
      %get3A_653 = arith.constant 157 : i32
      %get3A_654 = arith.index_cast %get3A_653 : i32 to index
      %get3A_655 = arith.index_cast %mul3A_77 : i32 to index
      %get3A_656 = tpu.vector_load %arg7[%get3A_654, %get3A_655] {strides = array<i32>} : memref<200x512xi32, #tpu.memory_space<vmem>>, vector<16xi32>,
      %gather3A_657 = tpu.vector_load_idx %arg8[%get3A_652, %get3A_656, %iota3A] : memref<8x8x16xf32, #tpu.memory_space<vmem>>[vector<16xi32>, vector<16xi32>, vector<16xi32>], vector<16xf32>,
      %add3A_658 = arith.addf %add3A_638, %gather3A_657 : vector<16xf32>
      %get3A_659 = arith.constant 58 : i32
      %get3A_660 = arith.index_cast %get3A_659 : i32 to index
      %get3A_661 = arith.index_cast %mul3A_77 : i32 to index
      %get3A_662 = tpu.vector_load %arg7[%get3A_660, %get3A_661] {strides = array<i32>} : memref<200x512xi32, #tpu.memory_space<vmem>>, vector<16xi32>,
      %get3A_663 = arith.constant 158 : i32
      %get3A_664 = arith.index_cast %get3A_663 : i32 to index
      %get3A_665 = arith.index_cast %mul3A_77 : i32 to index
      %get3A_666 = tpu.vector_load %arg7[%get3A_664, %get3A_665] {strides = array<i32>} : memref<200x512xi32, #tpu.memory_space<vmem>>, vector<16xi32>,
      %gather3A_667 = tpu.vector_load_idx %arg8[%get3A_662, %get3A_666, %iota3A] : memref<8x8x16xf32, #tpu.memory_space<vmem>>[vector<16xi32>, vector<16xi32>, vector<16xi32>], vector<16xf32>,
      %add3A_668 = arith.addf %add3A_648, %gather3A_667 : vector<16xf32>
      %get3A_669 = arith.constant 59 : i32
      %get3A_670 = arith.index_cast %get3A_669 : i32 to index
      %get3A_671 = arith.index_cast %mul3A_77 : i32 to index
      %get3A_672 = tpu.vector_load %arg7[%get3A_670, %get3A_671] {strides = array<i32>} : memref<200x512xi32, #tpu.memory_space<vmem>>, vector<16xi32>,
      %get3A_673 = arith.constant 159 : i32
      %get3A_674 = arith.index_cast %get3A_673 : i32 to index
      %get3A_675 = arith.index_cast %mul3A_77 : i32 to index
      %get3A_676 = tpu.vector_load %arg7[%get3A_674, %get3A_675] {strides = array<i32>} : memref<200x512xi32, #tpu.memory_space<vmem>>, vector<16xi32>,
      %gather3A_677 = tpu.vector_load_idx %arg8[%get3A_672, %get3A_676, %iota3A] : memref<8x8x16xf32, #tpu.memory_space<vmem>>[vector<16xi32>, vector<16xi32>, vector<16xi32>], vector<16xf32>,
      %add3A_678 = arith.addf %add3A_658, %gather3A_677 : vector<16xf32>
      %get3A_679 = arith.constant 60 : i32
      %get3A_680 = arith.index_cast %get3A_679 : i32 to index
      %get3A_681 = arith.index_cast %mul3A_77 : i32 to index
      %get3A_682 = tpu.vector_load %arg7[%get3A_680, %get3A_681] {strides = array<i32>} : memref<200x512xi32, #tpu.memory_space<vmem>>, vector<16xi32>,
      %get3A_683 = arith.constant 160 : i32
      %get3A_684 = arith.index_cast %get3A_683 : i32 to index
      %get3A_685 = arith.index_cast %mul3A_77 : i32 to index
      %get3A_686 = tpu.vector_load %arg7[%get3A_684, %get3A_685] {strides = array<i32>} : memref<200x512xi32, #tpu.memory_space<vmem>>, vector<16xi32>,
      %gather3A_687 = tpu.vector_load_idx %arg8[%get3A_682, %get3A_686, %iota3A] : memref<8x8x16xf32, #tpu.memory_space<vmem>>[vector<16xi32>, vector<16xi32>, vector<16xi32>], vector<16xf32>,
      %add3A_688 = arith.addf %add3A_668, %gather3A_687 : vector<16xf32>
      %get3A_689 = arith.constant 61 : i32
      %get3A_690 = arith.index_cast %get3A_689 : i32 to index
      %get3A_691 = arith.index_cast %mul3A_77 : i32 to index
      %get3A_692 = tpu.vector_load %arg7[%get3A_690, %get3A_691] {strides = array<i32>} : memref<200x512xi32, #tpu.memory_space<vmem>>, vector<16xi32>,
      %get3A_693 = arith.constant 161 : i32
      %get3A_694 = arith.index_cast %get3A_693 : i32 to index
      %get3A_695 = arith.index_cast %mul3A_77 : i32 to index
      %get3A_696 = tpu.vector_load %arg7[%get3A_694, %get3A_695] {strides = array<i32>} : memref<200x512xi32, #tpu.memory_space<vmem>>, vector<16xi32>,
      %gather3A_697 = tpu.vector_load_idx %arg8[%get3A_692, %get3A_696, %iota3A] : memref<8x8x16xf32, #tpu.memory_space<vmem>>[vector<16xi32>, vector<16xi32>, vector<16xi32>], vector<16xf32>,
      %add3A_698 = arith.addf %add3A_678, %gather3A_697 : vector<16xf32>
      %get3A_699 = arith.constant 62 : i32
      %get3A_700 = arith.index_cast %get3A_699 : i32 to index
      %get3A_701 = arith.index_cast %mul3A_77 : i32 to index
      %get3A_702 = tpu.vector_load %arg7[%get3A_700, %get3A_701] {strides = array<i32>} : memref<200x512xi32, #tpu.memory_space<vmem>>, vector<16xi32>,
      %get3A_703 = arith.constant 162 : i32
      %get3A_704 = arith.index_cast %get3A_703 : i32 to index
      %get3A_705 = arith.index_cast %mul3A_77 : i32 to index
      %get3A_706 = tpu.vector_load %arg7[%get3A_704, %get3A_705] {strides = array<i32>} : memref<200x512xi32, #tpu.memory_space<vmem>>, vector<16xi32>,
      %gather3A_707 = tpu.vector_load_idx %arg8[%get3A_702, %get3A_706, %iota3A] : memref<8x8x16xf32, #tpu.memory_space<vmem>>[vector<16xi32>, vector<16xi32>, vector<16xi32>], vector<16xf32>,
      %add3A_708 = arith.addf %add3A_688, %gather3A_707 : vector<16xf32>
      %get3A_709 = arith.constant 63 : i32
      %get3A_710 = arith.index_cast %get3A_709 : i32 to index
      %get3A_711 = arith.index_cast %mul3A_77 : i32 to index
      %get3A_712 = tpu.vector_load %arg7[%get3A_710, %get3A_711] {strides = array<i32>} : memref<200x512xi32, #tpu.memory_space<vmem>>, vector<16xi32>,
      %get3A_713 = arith.constant 163 : i32
      %get3A_714 = arith.index_cast %get3A_713 : i32 to index
      %get3A_715 = arith.index_cast %mul3A_77 : i32 to index
      %get3A_716 = tpu.vector_load %arg7[%get3A_714, %get3A_715] {strides = array<i32>} : memref<200x512xi32, #tpu.memory_space<vmem>>, vector<16xi32>,
      %gather3A_717 = tpu.vector_load_idx %arg8[%get3A_712, %get3A_716, %iota3A] : memref<8x8x16xf32, #tpu.memory_space<vmem>>[vector<16xi32>, vector<16xi32>, vector<16xi32>], vector<16xf32>,
      %add3A_718 = arith.addf %add3A_698, %gather3A_717 : vector<16xf32>
      %get3A_719 = arith.constant 64 : i32
      %get3A_720 = arith.index_cast %get3A_719 : i32 to index
      %get3A_721 = arith.index_cast %mul3A_77 : i32 to index
      %get3A_722 = tpu.vector_load %arg7[%get3A_720, %get3A_721] {strides = array<i32>} : memref<200x512xi32, #tpu.memory_space<vmem>>, vector<16xi32>,
      %get3A_723 = arith.constant 164 : i32
      %get3A_724 = arith.index_cast %get3A_723 : i32 to index
      %get3A_725 = arith.index_cast %mul3A_77 : i32 to index
      %get3A_726 = tpu.vector_load %arg7[%get3A_724, %get3A_725] {strides = array<i32>} : memref<200x512xi32, #tpu.memory_space<vmem>>, vector<16xi32>,
      %gather3A_727 = tpu.vector_load_idx %arg8[%get3A_722, %get3A_726, %iota3A] : memref<8x8x16xf32, #tpu.memory_space<vmem>>[vector<16xi32>, vector<16xi32>, vector<16xi32>], vector<16xf32>,
      %add3A_728 = arith.addf %add3A_708, %gather3A_727 : vector<16xf32>
      %get3A_729 = arith.constant 65 : i32
      %get3A_730 = arith.index_cast %get3A_729 : i32 to index
      %get3A_731 = arith.index_cast %mul3A_77 : i32 to index
      %get3A_732 = tpu.vector_load %arg7[%get3A_730, %get3A_731] {strides = array<i32>} : memref<200x512xi32, #tpu.memory_space<vmem>>, vector<16xi32>,
      %get3A_733 = arith.constant 165 : i32
      %get3A_734 = arith.index_cast %get3A_733 : i32 to index
      %get3A_735 = arith.index_cast %mul3A_77 : i32 to index
      %get3A_736 = tpu.vector_load %arg7[%get3A_734, %get3A_735] {strides = array<i32>} : memref<200x512xi32, #tpu.memory_space<vmem>>, vector<16xi32>,
      %gather3A_737 = tpu.vector_load_idx %arg8[%get3A_732, %get3A_736, %iota3A] : memref<8x8x16xf32, #tpu.memory_space<vmem>>[vector<16xi32>, vector<16xi32>, vector<16xi32>], vector<16xf32>,
      %add3A_738 = arith.addf %add3A_718, %gather3A_737 : vector<16xf32>
      %get3A_739 = arith.constant 66 : i32
      %get3A_740 = arith.index_cast %get3A_739 : i32 to index
      %get3A_741 = arith.index_cast %mul3A_77 : i32 to index
      %get3A_742 = tpu.vector_load %arg7[%get3A_740, %get3A_741] {strides = array<i32>} : memref<200x512xi32, #tpu.memory_space<vmem>>, vector<16xi32>,
      %get3A_743 = arith.constant 166 : i32
      %get3A_744 = arith.index_cast %get3A_743 : i32 to index
      %get3A_745 = arith.index_cast %mul3A_77 : i32 to index
      %get3A_746 = tpu.vector_load %arg7[%get3A_744, %get3A_745] {strides = array<i32>} : memref<200x512xi32, #tpu.memory_space<vmem>>, vector<16xi32>,
      %gather3A_747 = tpu.vector_load_idx %arg8[%get3A_742, %get3A_746, %iota3A] : memref<8x8x16xf32, #tpu.memory_space<vmem>>[vector<16xi32>, vector<16xi32>, vector<16xi32>], vector<16xf32>,
      %add3A_748 = arith.addf %add3A_728, %gather3A_747 : vector<16xf32>
      %get3A_749 = arith.constant 67 : i32
      %get3A_750 = arith.index_cast %get3A_749 : i32 to index
      %get3A_751 = arith.index_cast %mul3A_77 : i32 to index
      %get3A_752 = tpu.vector_load %arg7[%get3A_750, %get3A_751] {strides = array<i32>} : memref<200x512xi32, #tpu.memory_space<vmem>>, vector<16xi32>,
      %get3A_753 = arith.constant 167 : i32
      %get3A_754 = arith.index_cast %get3A_753 : i32 to index
      %get3A_755 = arith.index_cast %mul3A_77 : i32 to index
      %get3A_756 = tpu.vector_load %arg7[%get3A_754, %get3A_755] {strides = array<i32>} : memref<200x512xi32, #tpu.memory_space<vmem>>, vector<16xi32>,
      %gather3A_757 = tpu.vector_load_idx %arg8[%get3A_752, %get3A_756, %iota3A] : memref<8x8x16xf32, #tpu.memory_space<vmem>>[vector<16xi32>, vector<16xi32>, vector<16xi32>], vector<16xf32>,
      %add3A_758 = arith.addf %add3A_738, %gather3A_757 : vector<16xf32>
      %get3A_759 = arith.constant 68 : i32
      %get3A_760 = arith.index_cast %get3A_759 : i32 to index
      %get3A_761 = arith.index_cast %mul3A_77 : i32 to index
      %get3A_762 = tpu.vector_load %arg7[%get3A_760, %get3A_761] {strides = array<i32>} : memref<200x512xi32, #tpu.memory_space<vmem>>, vector<16xi32>,
      %get3A_763 = arith.constant 168 : i32
      %get3A_764 = arith.index_cast %get3A_763 : i32 to index
      %get3A_765 = arith.index_cast %mul3A_77 : i32 to index
      %get3A_766 = tpu.vector_load %arg7[%get3A_764, %get3A_765] {strides = array<i32>} : memref<200x512xi32, #tpu.memory_space<vmem>>, vector<16xi32>,
      %gather3A_767 = tpu.vector_load_idx %arg8[%get3A_762, %get3A_766, %iota3A] : memref<8x8x16xf32, #tpu.memory_space<vmem>>[vector<16xi32>, vector<16xi32>, vector<16xi32>], vector<16xf32>,
      %add3A_768 = arith.addf %add3A_748, %gather3A_767 : vector<16xf32>
      %get3A_769 = arith.constant 69 : i32
      %get3A_770 = arith.index_cast %get3A_769 : i32 to index
      %get3A_771 = arith.index_cast %mul3A_77 : i32 to index
      %get3A_772 = tpu.vector_load %arg7[%get3A_770, %get3A_771] {strides = array<i32>} : memref<200x512xi32, #tpu.memory_space<vmem>>, vector<16xi32>,
      %get3A_773 = arith.constant 169 : i32
      %get3A_774 = arith.index_cast %get3A_773 : i32 to index
      %get3A_775 = arith.index_cast %mul3A_77 : i32 to index
      %get3A_776 = tpu.vector_load %arg7[%get3A_774, %get3A_775] {strides = array<i32>} : memref<200x512xi32, #tpu.memory_space<vmem>>, vector<16xi32>,
      %gather3A_777 = tpu.vector_load_idx %arg8[%get3A_772, %get3A_776, %iota3A] : memref<8x8x16xf32, #tpu.memory_space<vmem>>[vector<16xi32>, vector<16xi32>, vector<16xi32>], vector<16xf32>,
      %add3A_778 = arith.addf %add3A_758, %gather3A_777 : vector<16xf32>
      %get3A_779 = arith.constant 70 : i32
      %get3A_780 = arith.index_cast %get3A_779 : i32 to index
      %get3A_781 = arith.index_cast %mul3A_77 : i32 to index
      %get3A_782 = tpu.vector_load %arg7[%get3A_780, %get3A_781] {strides = array<i32>} : memref<200x512xi32, #tpu.memory_space<vmem>>, vector<16xi32>,
      %get3A_783 = arith.constant 170 : i32
      %get3A_784 = arith.index_cast %get3A_783 : i32 to index
      %get3A_785 = arith.index_cast %mul3A_77 : i32 to index
      %get3A_786 = tpu.vector_load %arg7[%get3A_784, %get3A_785] {strides = array<i32>} : memref<200x512xi32, #tpu.memory_space<vmem>>, vector<16xi32>,
      %gather3A_787 = tpu.vector_load_idx %arg8[%get3A_782, %get3A_786, %iota3A] : memref<8x8x16xf32, #tpu.memory_space<vmem>>[vector<16xi32>, vector<16xi32>, vector<16xi32>], vector<16xf32>,
      %add3A_788 = arith.addf %add3A_768, %gather3A_787 : vector<16xf32>
      %get3A_789 = arith.constant 71 : i32
      %get3A_790 = arith.index_cast %get3A_789 : i32 to index
      %get3A_791 = arith.index_cast %mul3A_77 : i32 to index
      %get3A_792 = tpu.vector_load %arg7[%get3A_790, %get3A_791] {strides = array<i32>} : memref<200x512xi32, #tpu.memory_space<vmem>>, vector<16xi32>,
      %get3A_793 = arith.constant 171 : i32
      %get3A_794 = arith.index_cast %get3A_793 : i32 to index
      %get3A_795 = arith.index_cast %mul3A_77 : i32 to index
      %get3A_796 = tpu.vector_load %arg7[%get3A_794, %get3A_795] {strides = array<i32>} : memref<200x512xi32, #tpu.memory_space<vmem>>, vector<16xi32>,
      %gather3A_797 = tpu.vector_load_idx %arg8[%get3A_792, %get3A_796, %iota3A] : memref<8x8x16xf32, #tpu.memory_space<vmem>>[vector<16xi32>, vector<16xi32>, vector<16xi32>], vector<16xf32>,
      %add3A_798 = arith.addf %add3A_778, %gather3A_797 : vector<16xf32>
      %get3A_799 = arith.constant 72 : i32
      %get3A_800 = arith.index_cast %get3A_799 : i32 to index
      %get3A_801 = arith.index_cast %mul3A_77 : i32 to index
      %get3A_802 = tpu.vector_load %arg7[%get3A_800, %get3A_801] {strides = array<i32>} : memref<200x512xi32, #tpu.memory_space<vmem>>, vector<16xi32>,
      %get3A_803 = arith.constant 172 : i32
      %get3A_804 = arith.index_cast %get3A_803 : i32 to index
      %get3A_805 = arith.index_cast %mul3A_77 : i32 to index
      %get3A_806 = tpu.vector_load %arg7[%get3A_804, %get3A_805] {strides = array<i32>} : memref<200x512xi32, #tpu.memory_space<vmem>>, vector<16xi32>,
      %gather3A_807 = tpu.vector_load_idx %arg8[%get3A_802, %get3A_806, %iota3A] : memref<8x8x16xf32, #tpu.memory_space<vmem>>[vector<16xi32>, vector<16xi32>, vector<16xi32>], vector<16xf32>,
      %add3A_808 = arith.addf %add3A_788, %gather3A_807 : vector<16xf32>
      %get3A_809 = arith.constant 73 : i32
      %get3A_810 = arith.index_cast %get3A_809 : i32 to index
      %get3A_811 = arith.index_cast %mul3A_77 : i32 to index
      %get3A_812 = tpu.vector_load %arg7[%get3A_810, %get3A_811] {strides = array<i32>} : memref<200x512xi32, #tpu.memory_space<vmem>>, vector<16xi32>,
      %get3A_813 = arith.constant 173 : i32
      %get3A_814 = arith.index_cast %get3A_813 : i32 to index
      %get3A_815 = arith.index_cast %mul3A_77 : i32 to index
      %get3A_816 = tpu.vector_load %arg7[%get3A_814, %get3A_815] {strides = array<i32>} : memref<200x512xi32, #tpu.memory_space<vmem>>, vector<16xi32>,
      %gather3A_817 = tpu.vector_load_idx %arg8[%get3A_812, %get3A_816, %iota3A] : memref<8x8x16xf32, #tpu.memory_space<vmem>>[vector<16xi32>, vector<16xi32>, vector<16xi32>], vector<16xf32>,
      %add3A_818 = arith.addf %add3A_798, %gather3A_817 : vector<16xf32>
      %get3A_819 = arith.constant 74 : i32
      %get3A_820 = arith.index_cast %get3A_819 : i32 to index
      %get3A_821 = arith.index_cast %mul3A_77 : i32 to index
      %get3A_822 = tpu.vector_load %arg7[%get3A_820, %get3A_821] {strides = array<i32>} : memref<200x512xi32, #tpu.memory_space<vmem>>, vector<16xi32>,
      %get3A_823 = arith.constant 174 : i32
      %get3A_824 = arith.index_cast %get3A_823 : i32 to index
      %get3A_825 = arith.index_cast %mul3A_77 : i32 to index
      %get3A_826 = tpu.vector_load %arg7[%get3A_824, %get3A_825] {strides = array<i32>} : memref<200x512xi32, #tpu.memory_space<vmem>>, vector<16xi32>,
      %gather3A_827 = tpu.vector_load_idx %arg8[%get3A_822, %get3A_826, %iota3A] : memref<8x8x16xf32, #tpu.memory_space<vmem>>[vector<16xi32>, vector<16xi32>, vector<16xi32>], vector<16xf32>,
      %add3A_828 = arith.addf %add3A_808, %gather3A_827 : vector<16xf32>
      %get3A_829 = arith.constant 75 : i32
      %get3A_830 = arith.index_cast %get3A_829 : i32 to index
      %get3A_831 = arith.index_cast %mul3A_77 : i32 to index
      %get3A_832 = tpu.vector_load %arg7[%get3A_830, %get3A_831] {strides = array<i32>} : memref<200x512xi32, #tpu.memory_space<vmem>>, vector<16xi32>,
      %get3A_833 = arith.constant 175 : i32
      %get3A_834 = arith.index_cast %get3A_833 : i32 to index
      %get3A_835 = arith.index_cast %mul3A_77 : i32 to index
      %get3A_836 = tpu.vector_load %arg7[%get3A_834, %get3A_835] {strides = array<i32>} : memref<200x512xi32, #tpu.memory_space<vmem>>, vector<16xi32>,
      %gather3A_837 = tpu.vector_load_idx %arg8[%get3A_832, %get3A_836, %iota3A] : memref<8x8x16xf32, #tpu.memory_space<vmem>>[vector<16xi32>, vector<16xi32>, vector<16xi32>], vector<16xf32>,
      %add3A_838 = arith.addf %add3A_818, %gather3A_837 : vector<16xf32>
      %get3A_839 = arith.constant 76 : i32
      %get3A_840 = arith.index_cast %get3A_839 : i32 to index
      %get3A_841 = arith.index_cast %mul3A_77 : i32 to index
      %get3A_842 = tpu.vector_load %arg7[%get3A_840, %get3A_841] {strides = array<i32>} : memref<200x512xi32, #tpu.memory_space<vmem>>, vector<16xi32>,
      %get3A_843 = arith.constant 176 : i32
      %get3A_844 = arith.index_cast %get3A_843 : i32 to index
      %get3A_845 = arith.index_cast %mul3A_77 : i32 to index
      %get3A_846 = tpu.vector_load %arg7[%get3A_844, %get3A_845] {strides = array<i32>} : memref<200x512xi32, #tpu.memory_space<vmem>>, vector<16xi32>,
      %gather3A_847 = tpu.vector_load_idx %arg8[%get3A_842, %get3A_846, %iota3A] : memref<8x8x16xf32, #tpu.memory_space<vmem>>[vector<16xi32>, vector<16xi32>, vector<16xi32>], vector<16xf32>,
      %add3A_848 = arith.addf %add3A_828, %gather3A_847 : vector<16xf32>
      %get3A_849 = arith.constant 77 : i32
      %get3A_850 = arith.index_cast %get3A_849 : i32 to index
      %get3A_851 = arith.index_cast %mul3A_77 : i32 to index
      %get3A_852 = tpu.vector_load %arg7[%get3A_850, %get3A_851] {strides = array<i32>} : memref<200x512xi32, #tpu.memory_space<vmem>>, vector<16xi32>,
      %get3A_853 = arith.constant 177 : i32
      %get3A_854 = arith.index_cast %get3A_853 : i32 to index
      %get3A_855 = arith.index_cast %mul3A_77 : i32 to index
      %get3A_856 = tpu.vector_load %arg7[%get3A_854, %get3A_855] {strides = array<i32>} : memref<200x512xi32, #tpu.memory_space<vmem>>, vector<16xi32>,
      %gather3A_857 = tpu.vector_load_idx %arg8[%get3A_852, %get3A_856, %iota3A] : memref<8x8x16xf32, #tpu.memory_space<vmem>>[vector<16xi32>, vector<16xi32>, vector<16xi32>], vector<16xf32>,
      %add3A_858 = arith.addf %add3A_838, %gather3A_857 : vector<16xf32>
      %get3A_859 = arith.constant 78 : i32
      %get3A_860 = arith.index_cast %get3A_859 : i32 to index
      %get3A_861 = arith.index_cast %mul3A_77 : i32 to index
      %get3A_862 = tpu.vector_load %arg7[%get3A_860, %get3A_861] {strides = array<i32>} : memref<200x512xi32, #tpu.memory_space<vmem>>, vector<16xi32>,
      %get3A_863 = arith.constant 178 : i32
      %get3A_864 = arith.index_cast %get3A_863 : i32 to index
      %get3A_865 = arith.index_cast %mul3A_77 : i32 to index
      %get3A_866 = tpu.vector_load %arg7[%get3A_864, %get3A_865] {strides = array<i32>} : memref<200x512xi32, #tpu.memory_space<vmem>>, vector<16xi32>,
      %gather3A_867 = tpu.vector_load_idx %arg8[%get3A_862, %get3A_866, %iota3A] : memref<8x8x16xf32, #tpu.memory_space<vmem>>[vector<16xi32>, vector<16xi32>, vector<16xi32>], vector<16xf32>,
      %add3A_868 = arith.addf %add3A_848, %gather3A_867 : vector<16xf32>
      %get3A_869 = arith.constant 79 : i32
      %get3A_870 = arith.index_cast %get3A_869 : i32 to index
      %get3A_871 = arith.index_cast %mul3A_77 : i32 to index
      %get3A_872 = tpu.vector_load %arg7[%get3A_870, %get3A_871] {strides = array<i32>} : memref<200x512xi32, #tpu.memory_space<vmem>>, vector<16xi32>,
      %get3A_873 = arith.constant 179 : i32
      %get3A_874 = arith.index_cast %get3A_873 : i32 to index
      %get3A_875 = arith.index_cast %mul3A_77 : i32 to index
      %get3A_876 = tpu.vector_load %arg7[%get3A_874, %get3A_875] {strides = array<i32>} : memref<200x512xi32, #tpu.memory_space<vmem>>, vector<16xi32>,
      %gather3A_877 = tpu.vector_load_idx %arg8[%get3A_872, %get3A_876, %iota3A] : memref<8x8x16xf32, #tpu.memory_space<vmem>>[vector<16xi32>, vector<16xi32>, vector<16xi32>], vector<16xf32>,
      %add3A_878 = arith.addf %add3A_858, %gather3A_877 : vector<16xf32>
      %get3A_879 = arith.constant 80 : i32
      %get3A_880 = arith.index_cast %get3A_879 : i32 to index
      %get3A_881 = arith.index_cast %mul3A_77 : i32 to index
      %get3A_882 = tpu.vector_load %arg7[%get3A_880, %get3A_881] {strides = array<i32>} : memref<200x512xi32, #tpu.memory_space<vmem>>, vector<16xi32>,
      %get3A_883 = arith.constant 180 : i32
      %get3A_884 = arith.index_cast %get3A_883 : i32 to index
      %get3A_885 = arith.index_cast %mul3A_77 : i32 to index
      %get3A_886 = tpu.vector_load %arg7[%get3A_884, %get3A_885] {strides = array<i32>} : memref<200x512xi32, #tpu.memory_space<vmem>>, vector<16xi32>,
      %gather3A_887 = tpu.vector_load_idx %arg8[%get3A_882, %get3A_886, %iota3A] : memref<8x8x16xf32, #tpu.memory_space<vmem>>[vector<16xi32>, vector<16xi32>, vector<16xi32>], vector<16xf32>,
      %add3A_888 = arith.addf %add3A_868, %gather3A_887 : vector<16xf32>
      %get3A_889 = arith.constant 81 : i32
      %get3A_890 = arith.index_cast %get3A_889 : i32 to index
      %get3A_891 = arith.index_cast %mul3A_77 : i32 to index
      %get3A_892 = tpu.vector_load %arg7[%get3A_890, %get3A_891] {strides = array<i32>} : memref<200x512xi32, #tpu.memory_space<vmem>>, vector<16xi32>,
      %get3A_893 = arith.constant 181 : i32
      %get3A_894 = arith.index_cast %get3A_893 : i32 to index
      %get3A_895 = arith.index_cast %mul3A_77 : i32 to index
      %get3A_896 = tpu.vector_load %arg7[%get3A_894, %get3A_895] {strides = array<i32>} : memref<200x512xi32, #tpu.memory_space<vmem>>, vector<16xi32>,
      %gather3A_897 = tpu.vector_load_idx %arg8[%get3A_892, %get3A_896, %iota3A] : memref<8x8x16xf32, #tpu.memory_space<vmem>>[vector<16xi32>, vector<16xi32>, vector<16xi32>], vector<16xf32>,
      %add3A_898 = arith.addf %add3A_878, %gather3A_897 : vector<16xf32>
      %get3A_899 = arith.constant 82 : i32
      %get3A_900 = arith.index_cast %get3A_899 : i32 to index
      %get3A_901 = arith.index_cast %mul3A_77 : i32 to index
      %get3A_902 = tpu.vector_load %arg7[%get3A_900, %get3A_901] {strides = array<i32>} : memref<200x512xi32, #tpu.memory_space<vmem>>, vector<16xi32>,
      %get3A_903 = arith.constant 182 : i32
      %get3A_904 = arith.index_cast %get3A_903 : i32 to index
      %get3A_905 = arith.index_cast %mul3A_77 : i32 to index
      %get3A_906 = tpu.vector_load %arg7[%get3A_904, %get3A_905] {strides = array<i32>} : memref<200x512xi32, #tpu.memory_space<vmem>>, vector<16xi32>,
      %gather3A_907 = tpu.vector_load_idx %arg8[%get3A_902, %get3A_906, %iota3A] : memref<8x8x16xf32, #tpu.memory_space<vmem>>[vector<16xi32>, vector<16xi32>, vector<16xi32>], vector<16xf32>,
      %add3A_908 = arith.addf %add3A_888, %gather3A_907 : vector<16xf32>
      %get3A_909 = arith.constant 83 : i32
      %get3A_910 = arith.index_cast %get3A_909 : i32 to index
      %get3A_911 = arith.index_cast %mul3A_77 : i32 to index
      %get3A_912 = tpu.vector_load %arg7[%get3A_910, %get3A_911] {strides = array<i32>} : memref<200x512xi32, #tpu.memory_space<vmem>>, vector<16xi32>,
      %get3A_913 = arith.constant 183 : i32
      %get3A_914 = arith.index_cast %get3A_913 : i32 to index
      %get3A_915 = arith.index_cast %mul3A_77 : i32 to index
      %get3A_916 = tpu.vector_load %arg7[%get3A_914, %get3A_915] {strides = array<i32>} : memref<200x512xi32, #tpu.memory_space<vmem>>, vector<16xi32>,
      %gather3A_917 = tpu.vector_load_idx %arg8[%get3A_912, %get3A_916, %iota3A] : memref<8x8x16xf32, #tpu.memory_space<vmem>>[vector<16xi32>, vector<16xi32>, vector<16xi32>], vector<16xf32>,
      %add3A_918 = arith.addf %add3A_898, %gather3A_917 : vector<16xf32>
      %get3A_919 = arith.constant 84 : i32
      %get3A_920 = arith.index_cast %get3A_919 : i32 to index
      %get3A_921 = arith.index_cast %mul3A_77 : i32 to index
      %get3A_922 = tpu.vector_load %arg7[%get3A_920, %get3A_921] {strides = array<i32>} : memref<200x512xi32, #tpu.memory_space<vmem>>, vector<16xi32>,
      %get3A_923 = arith.constant 184 : i32
      %get3A_924 = arith.index_cast %get3A_923 : i32 to index
      %get3A_925 = arith.index_cast %mul3A_77 : i32 to index
      %get3A_926 = tpu.vector_load %arg7[%get3A_924, %get3A_925] {strides = array<i32>} : memref<200x512xi32, #tpu.memory_space<vmem>>, vector<16xi32>,
      %gather3A_927 = tpu.vector_load_idx %arg8[%get3A_922, %get3A_926, %iota3A] : memref<8x8x16xf32, #tpu.memory_space<vmem>>[vector<16xi32>, vector<16xi32>, vector<16xi32>], vector<16xf32>,
      %add3A_928 = arith.addf %add3A_908, %gather3A_927 : vector<16xf32>
      %get3A_929 = arith.constant 85 : i32
      %get3A_930 = arith.index_cast %get3A_929 : i32 to index
      %get3A_931 = arith.index_cast %mul3A_77 : i32 to index
      %get3A_932 = tpu.vector_load %arg7[%get3A_930, %get3A_931] {strides = array<i32>} : memref<200x512xi32, #tpu.memory_space<vmem>>, vector<16xi32>,
      %get3A_933 = arith.constant 185 : i32
      %get3A_934 = arith.index_cast %get3A_933 : i32 to index
      %get3A_935 = arith.index_cast %mul3A_77 : i32 to index
      %get3A_936 = tpu.vector_load %arg7[%get3A_934, %get3A_935] {strides = array<i32>} : memref<200x512xi32, #tpu.memory_space<vmem>>, vector<16xi32>,
      %gather3A_937 = tpu.vector_load_idx %arg8[%get3A_932, %get3A_936, %iota3A] : memref<8x8x16xf32, #tpu.memory_space<vmem>>[vector<16xi32>, vector<16xi32>, vector<16xi32>], vector<16xf32>,
      %add3A_938 = arith.addf %add3A_918, %gather3A_937 : vector<16xf32>
      %get3A_939 = arith.constant 86 : i32
      %get3A_940 = arith.index_cast %get3A_939 : i32 to index
      %get3A_941 = arith.index_cast %mul3A_77 : i32 to index
      %get3A_942 = tpu.vector_load %arg7[%get3A_940, %get3A_941] {strides = array<i32>} : memref<200x512xi32, #tpu.memory_space<vmem>>, vector<16xi32>,
      %get3A_943 = arith.constant 186 : i32
      %get3A_944 = arith.index_cast %get3A_943 : i32 to index
      %get3A_945 = arith.index_cast %mul3A_77 : i32 to index
      %get3A_946 = tpu.vector_load %arg7[%get3A_944, %get3A_945] {strides = array<i32>} : memref<200x512xi32, #tpu.memory_space<vmem>>, vector<16xi32>,
      %gather3A_947 = tpu.vector_load_idx %arg8[%get3A_942, %get3A_946, %iota3A] : memref<8x8x16xf32, #tpu.memory_space<vmem>>[vector<16xi32>, vector<16xi32>, vector<16xi32>], vector<16xf32>,
      %add3A_948 = arith.addf %add3A_928, %gather3A_947 : vector<16xf32>
      %get3A_949 = arith.constant 87 : i32
      %get3A_950 = arith.index_cast %get3A_949 : i32 to index
      %get3A_951 = arith.index_cast %mul3A_77 : i32 to index
      %get3A_952 = tpu.vector_load %arg7[%get3A_950, %get3A_951] {strides = array<i32>} : memref<200x512xi32, #tpu.memory_space<vmem>>, vector<16xi32>,
      %get3A_953 = arith.constant 187 : i32
      %get3A_954 = arith.index_cast %get3A_953 : i32 to index
      %get3A_955 = arith.index_cast %mul3A_77 : i32 to index
      %get3A_956 = tpu.vector_load %arg7[%get3A_954, %get3A_955] {strides = array<i32>} : memref<200x512xi32, #tpu.memory_space<vmem>>, vector<16xi32>,
      %gather3A_957 = tpu.vector_load_idx %arg8[%get3A_952, %get3A_956, %iota3A] : memref<8x8x16xf32, #tpu.memory_space<vmem>>[vector<16xi32>, vector<16xi32>, vector<16xi32>], vector<16xf32>,
      %add3A_958 = arith.addf %add3A_938, %gather3A_957 : vector<16xf32>
      %get3A_959 = arith.constant 88 : i32
      %get3A_960 = arith.index_cast %get3A_959 : i32 to index
      %get3A_961 = arith.index_cast %mul3A_77 : i32 to index
      %get3A_962 = tpu.vector_load %arg7[%get3A_960, %get3A_961] {strides = array<i32>} : memref<200x512xi32, #tpu.memory_space<vmem>>, vector<16xi32>,
      %get3A_963 = arith.constant 188 : i32
      %get3A_964 = arith.index_cast %get3A_963 : i32 to index
      %get3A_965 = arith.index_cast %mul3A_77 : i32 to index
      %get3A_966 = tpu.vector_load %arg7[%get3A_964, %get3A_965] {strides = array<i32>} : memref<200x512xi32, #tpu.memory_space<vmem>>, vector<16xi32>,
      %gather3A_967 = tpu.vector_load_idx %arg8[%get3A_962, %get3A_966, %iota3A] : memref<8x8x16xf32, #tpu.memory_space<vmem>>[vector<16xi32>, vector<16xi32>, vector<16xi32>], vector<16xf32>,
      %add3A_968 = arith.addf %add3A_948, %gather3A_967 : vector<16xf32>
      %get3A_969 = arith.constant 89 : i32
      %get3A_970 = arith.index_cast %get3A_969 : i32 to index
      %get3A_971 = arith.index_cast %mul3A_77 : i32 to index
      %get3A_972 = tpu.vector_load %arg7[%get3A_970, %get3A_971] {strides = array<i32>} : memref<200x512xi32, #tpu.memory_space<vmem>>, vector<16xi32>,
      %get3A_973 = arith.constant 189 : i32
      %get3A_974 = arith.index_cast %get3A_973 : i32 to index
      %get3A_975 = arith.index_cast %mul3A_77 : i32 to index
      %get3A_976 = tpu.vector_load %arg7[%get3A_974, %get3A_975] {strides = array<i32>} : memref<200x512xi32, #tpu.memory_space<vmem>>, vector<16xi32>,
      %gather3A_977 = tpu.vector_load_idx %arg8[%get3A_972, %get3A_976, %iota3A] : memref<8x8x16xf32, #tpu.memory_space<vmem>>[vector<16xi32>, vector<16xi32>, vector<16xi32>], vector<16xf32>,
      %add3A_978 = arith.addf %add3A_958, %gather3A_977 : vector<16xf32>
      %get3A_979 = arith.constant 90 : i32
      %get3A_980 = arith.index_cast %get3A_979 : i32 to index
      %get3A_981 = arith.index_cast %mul3A_77 : i32 to index
      %get3A_982 = tpu.vector_load %arg7[%get3A_980, %get3A_981] {strides = array<i32>} : memref<200x512xi32, #tpu.memory_space<vmem>>, vector<16xi32>,
      %get3A_983 = arith.constant 190 : i32
      %get3A_984 = arith.index_cast %get3A_983 : i32 to index
      %get3A_985 = arith.index_cast %mul3A_77 : i32 to index
      %get3A_986 = tpu.vector_load %arg7[%get3A_984, %get3A_985] {strides = array<i32>} : memref<200x512xi32, #tpu.memory_space<vmem>>, vector<16xi32>,
      %gather3A_987 = tpu.vector_load_idx %arg8[%get3A_982, %get3A_986, %iota3A] : memref<8x8x16xf32, #tpu.memory_space<vmem>>[vector<16xi32>, vector<16xi32>, vector<16xi32>], vector<16xf32>,
      %add3A_988 = arith.addf %add3A_968, %gather3A_987 : vector<16xf32>
      %get3A_989 = arith.constant 91 : i32
      %get3A_990 = arith.index_cast %get3A_989 : i32 to index
      %get3A_991 = arith.index_cast %mul3A_77 : i32 to index
      %get3A_992 = tpu.vector_load %arg7[%get3A_990, %get3A_991] {strides = array<i32>} : memref<200x512xi32, #tpu.memory_space<vmem>>, vector<16xi32>,
      %get3A_993 = arith.constant 191 : i32
      %get3A_994 = arith.index_cast %get3A_993 : i32 to index
      %get3A_995 = arith.index_cast %mul3A_77 : i32 to index
      %get3A_996 = tpu.vector_load %arg7[%get3A_994, %get3A_995] {strides = array<i32>} : memref<200x512xi32, #tpu.memory_space<vmem>>, vector<16xi32>,
      %gather3A_997 = tpu.vector_load_idx %arg8[%get3A_992, %get3A_996, %iota3A] : memref<8x8x16xf32, #tpu.memory_space<vmem>>[vector<16xi32>, vector<16xi32>, vector<16xi32>], vector<16xf32>,
      %add3A_998 = arith.addf %add3A_978, %gather3A_997 : vector<16xf32>
      %get3A_999 = arith.constant 92 : i32
      %get3A_1000 = arith.index_cast %get3A_999 : i32 to index
      %get3A_1001 = arith.index_cast %mul3A_77 : i32 to index
      %get3A_1002 = tpu.vector_load %arg7[%get3A_1000, %get3A_1001] {strides = array<i32>} : memref<200x512xi32, #tpu.memory_space<vmem>>, vector<16xi32>,
      %get3A_1003 = arith.constant 192 : i32
      %get3A_1004 = arith.index_cast %get3A_1003 : i32 to index
      %get3A_1005 = arith.index_cast %mul3A_77 : i32 to index
      %get3A_1006 = tpu.vector_load %arg7[%get3A_1004, %get3A_1005] {strides = array<i32>} : memref<200x512xi32, #tpu.memory_space<vmem>>, vector<16xi32>,
      %gather3A_1007 = tpu.vector_load_idx %arg8[%get3A_1002, %get3A_1006, %iota3A] : memref<8x8x16xf32, #tpu.memory_space<vmem>>[vector<16xi32>, vector<16xi32>, vector<16xi32>], vector<16xf32>,
      %add3A_1008 = arith.addf %add3A_988, %gather3A_1007 : vector<16xf32>
      %get3A_1009 = arith.constant 93 : i32
      %get3A_1010 = arith.index_cast %get3A_1009 : i32 to index
      %get3A_1011 = arith.index_cast %mul3A_77 : i32 to index
      %get3A_1012 = tpu.vector_load %arg7[%get3A_1010, %get3A_1011] {strides = array<i32>} : memref<200x512xi32, #tpu.memory_space<vmem>>, vector<16xi32>,
      %get3A_1013 = arith.constant 193 : i32
      %get3A_1014 = arith.index_cast %get3A_1013 : i32 to index
      %get3A_1015 = arith.index_cast %mul3A_77 : i32 to index
      %get3A_1016 = tpu.vector_load %arg7[%get3A_1014, %get3A_1015] {strides = array<i32>} : memref<200x512xi32, #tpu.memory_space<vmem>>, vector<16xi32>,
      %gather3A_1017 = tpu.vector_load_idx %arg8[%get3A_1012, %get3A_1016, %iota3A] : memref<8x8x16xf32, #tpu.memory_space<vmem>>[vector<16xi32>, vector<16xi32>, vector<16xi32>], vector<16xf32>,
      %add3A_1018 = arith.addf %add3A_998, %gather3A_1017 : vector<16xf32>
      %get3A_1019 = arith.constant 94 : i32
      %get3A_1020 = arith.index_cast %get3A_1019 : i32 to index
      %get3A_1021 = arith.index_cast %mul3A_77 : i32 to index
      %get3A_1022 = tpu.vector_load %arg7[%get3A_1020, %get3A_1021] {strides = array<i32>} : memref<200x512xi32, #tpu.memory_space<vmem>>, vector<16xi32>,
      %get3A_1023 = arith.constant 194 : i32
      %get3A_1024 = arith.index_cast %get3A_1023 : i32 to index
      %get3A_1025 = arith.index_cast %mul3A_77 : i32 to index
      %get3A_1026 = tpu.vector_load %arg7[%get3A_1024, %get3A_1025] {strides = array<i32>} : memref<200x512xi32, #tpu.memory_space<vmem>>, vector<16xi32>,
      %gather3A_1027 = tpu.vector_load_idx %arg8[%get3A_1022, %get3A_1026, %iota3A] : memref<8x8x16xf32, #tpu.memory_space<vmem>>[vector<16xi32>, vector<16xi32>, vector<16xi32>], vector<16xf32>,
      %add3A_1028 = arith.addf %add3A_1008, %gather3A_1027 : vector<16xf32>
      %get3A_1029 = arith.constant 95 : i32
      %get3A_1030 = arith.index_cast %get3A_1029 : i32 to index
      %get3A_1031 = arith.index_cast %mul3A_77 : i32 to index
      %get3A_1032 = tpu.vector_load %arg7[%get3A_1030, %get3A_1031] {strides = array<i32>} : memref<200x512xi32, #tpu.memory_space<vmem>>, vector<16xi32>,
      %get3A_1033 = arith.constant 195 : i32
      %get3A_1034 = arith.index_cast %get3A_1033 : i32 to index
      %get3A_1035 = arith.index_cast %mul3A_77 : i32 to index
      %get3A_1036 = tpu.vector_load %arg7[%get3A_1034, %get3A_1035] {strides = array<i32>} : memref<200x512xi32, #tpu.memory_space<vmem>>, vector<16xi32>,
      %gather3A_1037 = tpu.vector_load_idx %arg8[%get3A_1032, %get3A_1036, %iota3A] : memref<8x8x16xf32, #tpu.memory_space<vmem>>[vector<16xi32>, vector<16xi32>, vector<16xi32>], vector<16xf32>,
      %add3A_1038 = arith.addf %add3A_1018, %gather3A_1037 : vector<16xf32>
      %get3A_1039 = arith.constant 96 : i32
      %get3A_1040 = arith.index_cast %get3A_1039 : i32 to index
      %get3A_1041 = arith.index_cast %mul3A_77 : i32 to index
      %get3A_1042 = tpu.vector_load %arg7[%get3A_1040, %get3A_1041] {strides = array<i32>} : memref<200x512xi32, #tpu.memory_space<vmem>>, vector<16xi32>,
      %get3A_1043 = arith.constant 196 : i32
      %get3A_1044 = arith.index_cast %get3A_1043 : i32 to index
      %get3A_1045 = arith.index_cast %mul3A_77 : i32 to index
      %get3A_1046 = tpu.vector_load %arg7[%get3A_1044, %get3A_1045] {strides = array<i32>} : memref<200x512xi32, #tpu.memory_space<vmem>>, vector<16xi32>,
      %gather3A_1047 = tpu.vector_load_idx %arg8[%get3A_1042, %get3A_1046, %iota3A] : memref<8x8x16xf32, #tpu.memory_space<vmem>>[vector<16xi32>, vector<16xi32>, vector<16xi32>], vector<16xf32>,
      %add3A_1048 = arith.addf %add3A_1028, %gather3A_1047 : vector<16xf32>
      %get3A_1049 = arith.constant 97 : i32
      %get3A_1050 = arith.index_cast %get3A_1049 : i32 to index
      %get3A_1051 = arith.index_cast %mul3A_77 : i32 to index
      %get3A_1052 = tpu.vector_load %arg7[%get3A_1050, %get3A_1051] {strides = array<i32>} : memref<200x512xi32, #tpu.memory_space<vmem>>, vector<16xi32>,
      %get3A_1053 = arith.constant 197 : i32
      %get3A_1054 = arith.index_cast %get3A_1053 : i32 to index
      %get3A_1055 = arith.index_cast %mul3A_77 : i32 to index
      %get3A_1056 = tpu.vector_load %arg7[%get3A_1054, %get3A_1055] {strides = array<i32>} : memref<200x512xi32, #tpu.memory_space<vmem>>, vector<16xi32>,
      %gather3A_1057 = tpu.vector_load_idx %arg8[%get3A_1052, %get3A_1056, %iota3A] : memref<8x8x16xf32, #tpu.memory_space<vmem>>[vector<16xi32>, vector<16xi32>, vector<16xi32>], vector<16xf32>,
      %add3A_1058 = arith.addf %add3A_1038, %gather3A_1057 : vector<16xf32>
      %get3A_1059 = arith.constant 98 : i32
      %get3A_1060 = arith.index_cast %get3A_1059 : i32 to index
      %get3A_1061 = arith.index_cast %mul3A_77 : i32 to index
      %get3A_1062 = tpu.vector_load %arg7[%get3A_1060, %get3A_1061] {strides = array<i32>} : memref<200x512xi32, #tpu.memory_space<vmem>>, vector<16xi32>,
      %get3A_1063 = arith.constant 198 : i32
      %get3A_1064 = arith.index_cast %get3A_1063 : i32 to index
      %get3A_1065 = arith.index_cast %mul3A_77 : i32 to index
      %get3A_1066 = tpu.vector_load %arg7[%get3A_1064, %get3A_1065] {strides = array<i32>} : memref<200x512xi32, #tpu.memory_space<vmem>>, vector<16xi32>,
      %gather3A_1067 = tpu.vector_load_idx %arg8[%get3A_1062, %get3A_1066, %iota3A] : memref<8x8x16xf32, #tpu.memory_space<vmem>>[vector<16xi32>, vector<16xi32>, vector<16xi32>], vector<16xf32>,
      %add3A_1068 = arith.addf %add3A_1048, %gather3A_1067 : vector<16xf32>
      %get3A_1069 = arith.constant 99 : i32
      %get3A_1070 = arith.index_cast %get3A_1069 : i32 to index
      %get3A_1071 = arith.index_cast %mul3A_77 : i32 to index
      %get3A_1072 = tpu.vector_load %arg7[%get3A_1070, %get3A_1071] {strides = array<i32>} : memref<200x512xi32, #tpu.memory_space<vmem>>, vector<16xi32>,
      %get3A_1073 = arith.constant 199 : i32
      %get3A_1074 = arith.index_cast %get3A_1073 : i32 to index
      %get3A_1075 = arith.index_cast %mul3A_77 : i32 to index
      %get3A_1076 = tpu.vector_load %arg7[%get3A_1074, %get3A_1075] {strides = array<i32>} : memref<200x512xi32, #tpu.memory_space<vmem>>, vector<16xi32>,
      %gather3A_1077 = tpu.vector_load_idx %arg8[%get3A_1072, %get3A_1076, %iota3A] : memref<8x8x16xf32, #tpu.memory_space<vmem>>[vector<16xi32>, vector<16xi32>, vector<16xi32>], vector<16xf32>,
      %add3A_1078 = arith.addf %add3A_1058, %gather3A_1077 : vector<16xf32>
      %add3A_1079 = arith.addf %add3A_1068, %add3A_1078 : vector<16xf32>
      %get3A_1080 = arith.index_cast %mul3A_77 : i32 to index
      %get3A_1081 = tpu.vector_load %arg9[%get3A_1080] {strides = array<i32>} : memref<512xf32, #tpu.memory_space<vmem>>, vector<16xf32>,
      %add3A_1082 = arith.addf %add3A_1079, %get3A_1081 : vector<16xf32>
      %swap3A = arith.index_cast %mul3A_77 : i32 to index
      %swap3A_1083 = tpu.vector_load %arg10[%swap3A] {strides = array<i32>} : memref<512xf32, #tpu.memory_space<vmem>>, vector<16xf32>,
      tpu.vector_store %arg10[%swap3A], %add3A_1082 {strides = array<i32>} : memref<512xf32, #tpu.memory_space<vmem>>, vector<16xf32>,
    }
    %scan3A_50 = arith.constant 32 : i32
    "tpu.region"() ({
      %run_scoped3A = tpu.sem_alloc : memref<!tpu.dma_semaphore, #tpu.memory_space<semaphore_mem>>
      %dma_start3A_73 = tpu.memref_slice %arg5[%mul3A_2] : memref<16384xf32, #tpu.memory_space<hbm>> -> memref<512xf32, #tpu.memory_space<hbm>>
      %dma_start3A_74 = tpu.memref_slice %arg5[%mul3A_2] : memref<16384xf32, #tpu.memory_space<hbm>> -> memref<512xf32, #tpu.memory_space<hbm>>
      tpu.enqueue_dma source(%arg10 : memref<512xf32, #tpu.memory_space<vmem>>) target(%dma_start3A_74 : memref<512xf32, #tpu.memory_space<hbm>>) target_semaphore(%run_scoped3A : memref<!tpu.dma_semaphore, #tpu.memory_space<semaphore_mem>>)
      %dma_wait3A_75 = tpu.memref_slice %arg5[%mul3A_2] : memref<16384xf32, #tpu.memory_space<hbm>> -> memref<512xf32, #tpu.memory_space<hbm>>
      %dma_wait3A_76 = tpu.memref_slice %arg5[%mul3A_2] : memref<16384xf32, #tpu.memory_space<hbm>> -> memref<512xf32, #tpu.memory_space<hbm>>
      tpu.wait_dma2 semaphore(%run_scoped3A : memref<!tpu.dma_semaphore, #tpu.memory_space<semaphore_mem>>) src(%arg10 : memref<512xf32, #tpu.memory_space<vmem>>) dst(%dma_wait3A_76 : memref<512xf32, #tpu.memory_space<hbm>>)
      tpu.yield
    }) : () -> ()
    %dma_wait3A_51 = arith.constant 0 : i32
    %dma_wait3A_52 = arith.constant 0 : i32
    %dma_wait3A_53 = tpu.memref_slice %arg7[%dma_wait3A_51, %dma_wait3A_52] : memref<200x512xi32, #tpu.memory_space<vmem>> -> memref<200x256xi32, #tpu.memory_space<vmem>>
    %dma_wait3A_54 = arith.constant 0 : i32
    %dma_wait3A_55 = tpu.memref_slice %arg6[%dma_wait3A_54, %mul3A_2] : memref<200x16384xi32, #tpu.memory_space<hbm>> -> memref<200x256xi32, #tpu.memory_space<hbm>>
    %dma_wait3A_56 = arith.constant 0 : i32
    %dma_wait3A_57 = tpu.memref_slice %arg6[%dma_wait3A_56, %mul3A_2] : memref<200x16384xi32, #tpu.memory_space<hbm>> -> memref<200x256xi32, #tpu.memory_space<hbm>>
    %dma_wait3A_58 = arith.constant 0 : i32
    %dma_wait3A_59 = arith.constant 0 : i32
    %dma_wait3A_60 = tpu.memref_slice %arg7[%dma_wait3A_58, %dma_wait3A_59] : memref<200x512xi32, #tpu.memory_space<vmem>> -> memref<200x256xi32, #tpu.memory_space<vmem>>
    tpu.wait_dma2 semaphore(%arg14 : memref<!tpu.dma_semaphore, #tpu.memory_space<semaphore_mem>>) src(%dma_wait3A_60 : memref<200x256xi32, #tpu.memory_space<vmem>>) dst(%dma_wait3A_57 : memref<200x256xi32, #tpu.memory_space<hbm>>)
    %add3A_61 = arith.constant 256 : i32
    %add3A_62 = arith.addi %mul3A_2, %add3A_61 : i32
    %dma_wait3A_63 = arith.constant 0 : i32
    %dma_wait3A_64 = arith.constant 256 : i32
    %dma_wait3A_65 = tpu.memref_slice %arg7[%dma_wait3A_63, %dma_wait3A_64] : memref<200x512xi32, #tpu.memory_space<vmem>> -> memref<200x256xi32, #tpu.memory_space<vmem>>
    %dma_wait3A_66 = arith.constant 0 : i32
    %dma_wait3A_67 = tpu.memref_slice %arg6[%dma_wait3A_66, %add3A_62] : memref<200x16384xi32, #tpu.memory_space<hbm>> -> memref<200x256xi32, #tpu.memory_space<hbm>>
    %dma_wait3A_68 = arith.constant 0 : i32
    %dma_wait3A_69 = tpu.memref_slice %arg6[%dma_wait3A_68, %add3A_62] : memref<200x16384xi32, #tpu.memory_space<hbm>> -> memref<200x256xi32, #tpu.memory_space<hbm>>
    %dma_wait3A_70 = arith.constant 0 : i32
    %dma_wait3A_71 = arith.constant 256 : i32
    %dma_wait3A_72 = tpu.memref_slice %arg7[%dma_wait3A_70, %dma_wait3A_71] : memref<200x512xi32, #tpu.memory_space<vmem>> -> memref<200x256xi32, #tpu.memory_space<vmem>>
    tpu.wait_dma2 semaphore(%arg15 : memref<!tpu.dma_semaphore, #tpu.memory_space<semaphore_mem>>) src(%dma_wait3A_72 : memref<200x256xi32, #tpu.memory_space<vmem>>) dst(%dma_wait3A_69 : memref<200x256xi32, #tpu.memory_space<hbm>>)
    return
  }
}

</mosaic_0001>

<sc_bundles>
// kernel: _shifter.3.cloned.1.call-start
scs
__scs_entry_jumppad:
0x0: {  	(pc) =	sbr.rel $0x88, $3  }
0x1: {  	(tag) =	ssettag $0x0;
	lr =	simm.s32 $0x1  }
0x2: {  	[smem:$0x3F9E] =	sst lr;
	_ =	strace $0xD0000000  }
0x3: {  	_ = 	snop  }
0x4: {  	_ = 	snop  }
0x5: {  	_ = 	snop  }
0x6: {  	_ = 	snop  }
0x7: {  	_ = 	snop  }
__scs_overlays_trampoline_lowered:
0x8: {  	[smem:$0x3FAD] =	sst s0  }
0x9: {  	[smem:$0x3FAE] =	sst s1  }
0xa: {  	[smem:$0x3FAF] =	sst s2  }
0xb: {  	[smem:$0x3FB0] =	sst s3  }
0xc: {  	[smem:$0x3FB1] =	sst s4  }
0xd: {  	[smem:$0x3FB2] =	sst s5  }
0xe: {  	[smem:$0x3FB3] =	sst s6  }
0xf: {  	[smem:$0x3FB4] =	sst s7  }
0x10: {  	[smem:$0x3FB5] =	sst s8  }
0x11: {  	[smem:$0x3FB6] =	sst s9;
	s0 =	simm.s32 @!p0 $0x0  }
0x12: {  	s1 =	sld [smem:$0x3F9C];
	s0 =	simm.s32 @p0 $0x1  }
0x13: {  	[smem:$0x3FB7] =	sst s0;
	s0 =	simm.s32 @!p1 $0x0  }
0x14: {  	s2 =	sld [smem:$0x3F9B];
	s0 =	simm.s32 @p1 $0x1  }
0x15: {  	[smem:$0x3FB8] =	sst s0;
	s0 =	simm.s32 @!p2 $0x0  }
0x16: {  	s3 =	sld [smem:$0x3FDB];
	s0 =	simm.s32 @p2 $0x1  }
0x17: {  	s4 =	simm.s32 $0x1BF5;
	[smem:$0x3FBA] =	sst s0  }
0x18: {  	s0 =	sld [smem:$0x3F9D];
	_ =	swait.ge [sflag:s4], $0x0  }
0x19: {  	s7 =	sld [smem:$0x3F9E]  }
0x1a: {  	s8 =	sadd.s32 $0xFFFFE003, lr  }
0x1b: {  	s9 =	sadd.s32 $0xFFFFFEF7, lr;
	s5 =	simm.s32 $0xFFFFFFFF;
	p2 =	slt.u32 s8, $0xFFFFF086  }
0x1c: {  	p1 =	slt.u32 s9, $0xF7A;
	s5 =	simm.s32 @!p2 $0x0  }
0x1d: {  	s5 =	simm.s32 @p1 $0x1;
	p0 =	seq.s32 s7, s2  }
0x1e: {  	s7 =	smul.u32 @!p0 $0xF7A, s2;
	p2 =	seq.s32 @!p0 s5, $0x0  }
0x1f: {  	s9 =	smul.u32 $0xF7A, s1;
	s8 =	simm.s32 @!p0 $0x1BF5;
	p2 =	por !p2, p0  }
0x20: {  	[sflag:s8] =	ssyncset.s32 @!p0 $0xFFFFF086;
	s6 =	sadd.s32 @!p0 s3, s7;
	s7 =	simm.s32 @!p0 $0x108  }
0x21: {  	s3 =	sadd.s32 s3, s9;
	s6 =	sadd.s32 @!p0 $0x88, s6;
	s7 =	simm.s32 @p2 $0x1082  }
0x22: {  	[simem:s7], [sflag:s8] =	dma.local @!p0 [hbm:s6], $0xF7A  }
0x23: {  	s9 =	sor.u32 $0xD0000000, s2;
	s6 =	simm.s32 $0x108;
	_ =	swait.ge @!p0 [sflag:s8], $0x0  }
0x24: {  	s3 =	sadd.s32 $0x88, s3;
	s6 =	simm.s32 @!p1 $0x1082;
	[sflag:s4] =	ssyncset.s32 $0xFFFFF086  }
0x25: {  	[simem:s6], [sflag:s4] =	dma.local [hbm:s3], $0xF7A  }
0x26: {  	[smem:$0x3F9E] =	sst s1;
	(tag) =	ssettag s2;
	_ =	strace s9  }
0x27: {  	s1 =	sld [smem:$0x3FAE]  }
0x28: {  	s2 =	sld [smem:$0x3FAF]  }
0x29: {  	s4 =	sld [smem:$0x3FB1]  }
0x2a: {  	p0 =	seq.s32 s5, $0x0;
	s5 =	sld [smem:$0x3FB2]  }
0x2b: {  	s6 =	sld [smem:$0x3FB3]  }
0x2c: {  	s7 =	sld [smem:$0x3FB4]  }
0x2d: {  	s3 =	simm.s32 $0x108;
	s8 =	sld [smem:$0x3FB5]  }
0x2e: {  	s3 =	simm.s32 @!p0 $0x1082;
	s9 =	sld [smem:$0x3FB6]  }
0x2f: {  	lr =	sadd.s32 s0, s3;
	s0 =	sld [smem:$0x3FAD]  }
0x30: {  	s3 =	sld [smem:$0x3FB0]  }
0x31: {  	[smem:$0x3FB9] =	sst s10  }
0x32: {  	s10 =	sld [smem:$0x3FB7];
	_ =	sdelay $0x3  }
0x33: {  	p0 =	seq.s32 s10, $0x1;
	s10 =	sld [smem:$0x3FB9];
	_ =	sdelay $0x3  }
0x34: {  	[smem:$0x3FB9] =	sst s10  }
0x35: {  	s10 =	sld [smem:$0x3FB8];
	_ =	sdelay $0x3  }
0x36: {  	p1 =	seq.s32 s10, $0x1;
	s10 =	sld [smem:$0x3FB9];
	_ =	sdelay $0x3  }
0x37: {  	[smem:$0x3FB9] =	sst s10  }
0x38: {  	s10 =	sld [smem:$0x3FBA]  }
0x39: {  	_ = 	snop;
	(pc) =	sbr.ind lr, $3  }
0x3a: {  	_ = 	snop  }
0x3b: {  	_ = 	snop  }
0x3c: {  	p2 =	seq.s32 s10, $0x1;
	s10 =	sld [smem:$0x3FB9]  }
0x3d: {  	_ =	shalt  }
0x3e: {  	_ =	shalt  }
0x3f: {  	_ =	shalt  }
0x40: {  	_ =	shalt  }
0x41: {  	_ =	shalt  }
0x42: {  	_ =	shalt  }
0x43: {  	_ =	shalt  }
0x44: {  	_ =	shalt  }
0x45: {  	_ =	shalt  }
0x46: {  	_ =	shalt  }
0x47: {  	_ =	shalt  }
0x48: {  	_ =	shalt  }
0x49: {  	_ =	shalt  }
0x4a: {  	_ =	shalt  }
0x4b: {  	_ =	shalt  }
0x4c: {  	_ =	shalt  }
0x4d: {  	_ =	shalt  }
0x4e: {  	_ =	shalt  }
0x4f: {  	_ =	shalt  }
0x50: {  	_ =	shalt  }
0x51: {  	_ =	shalt  }
0x52: {  	_ =	shalt  }
0x53: {  	_ =	shalt  }
0x54: {  	_ =	shalt  }
0x55: {  	_ =	shalt  }
0x56: {  	_ =	shalt  }
0x57: {  	_ =	shalt  }
0x58: {  	_ =	shalt  }
0x59: {  	_ =	shalt  }
0x5a: {  	_ =	shalt  }
0x5b: {  	_ =	shalt  }
0x5c: {  	_ =	shalt  }
0x5d: {  	_ =	shalt  }
0x5e: {  	_ =	shalt  }
0x5f: {  	_ =	shalt  }
0x60: {  	_ =	shalt  }
0x61: {  	_ =	shalt  }
0x62: {  	_ =	shalt  }
0x63: {  	_ =	shalt  }
0x64: {  	_ =	shalt  }
0x65: {  	_ =	shalt  }
0x66: {  	_ =	shalt  }
0x67: {  	_ =	shalt  }
0x68: {  	_ =	shalt  }
0x69: {  	_ =	shalt  }
0x6a: {  	_ =	shalt  }
0x6b: {  	_ =	shalt  }
0x6c: {  	_ =	shalt  }
0x6d: {  	_ =	shalt  }
0x6e: {  	_ =	shalt  }
0x6f: {  	_ =	shalt  }
0x70: {  	_ =	shalt  }
0x71: {  	_ =	shalt  }
0x72: {  	_ =	shalt  }
0x73: {  	_ =	shalt  }
0x74: {  	_ =	shalt  }
0x75: {  	_ =	shalt  }
0x76: {  	_ =	shalt  }
0x77: {  	_ =	shalt  }
0x78: {  	_ =	shalt  }
0x79: {  	_ =	shalt  }
0x7a: {  	_ =	shalt  }
0x7b: {  	_ =	shalt  }
0x7c: {  	_ =	shalt  }
0x7d: {  	_ =	shalt  }
0x7e: {  	_ =	shalt  }
0x7f: {  	_ =	shalt  }
0x80: {  	_ =	shalt  }
0x81: {  	_ =	shalt  }
0x82: {  	_ =	shalt  }
0x83: {  	_ =	shalt  }
0x84: {  	_ =	shalt  }
0x85: {  	_ =	shalt  }
0x86: {  	_ =	shalt  }
0x87: {  	_ =	shalt  }
.Lfunc_end0:
.L_simem_size_0:
called_computation_lowered:
.L_overlay_start_0:
0x88: {  	s2 =	sld [smem:$0x3FD9]  }
0x89: {  	s3 =	sld [smem:$0x3FFE];
	_ =	sdelay $0x1  }
0x8a: {  	s1 =	srdreg.scid  }
0x8b: {  	s0 =	sand.u32 $0x1, s1  }
0x8c: {  	s15 =	sshll.u32 s0, $0xA;
	s2 =	sadd.s32 s3, s2  }
0x8d: {  	s2 =	sadd.s32 s2, s15  }
0x8e: {  	[smem:$0x3FC5] =	sst s2  }
0x8f: {  	_ = 	snop  }
0x90: {  	s2 =	sld [smem:$0x3FD0]  }
0x91: {  	s16 =	sld [smem:$0x3FC9]  }
0x92: {  	s4 =	sld [smem:$0x3FC8]  }
0x93: {  	s6 =	simm.s32 $0xA;
	s7 =	simm.s32 $0x10;
	s5 =	sld [smem:$0x3FC7]  }
0x94: {  	[smem:s7], [sflag:s6] =	dma.local [hbm:s2], $0x1  }
0x95: {  	_ =	swait.eq [sflag:s6], $0x1  }
0x96: {  	[sflag:s6] =	ssyncset.done $0x0  }
0x97: {  	s17 =	sld [smem:$0x10];
	[sflag:s6] =	ssyncadd.s32 $0xFFFFFFFF  }
0x98: {  	s18 =	sld [smem:$0x11];
	(tm) =	ssettm $0x1  }
0x99: {  	s19 =	sld [smem:$0x3FFB];
	_ =	sdelay $0x3  }
0x9a: {  	_ =	strace s19  }
0x9b: {  	s7 =	sld [smem:$0x3FFC];
	_ =	sdelay $0x3  }
0x9c: {  	_ =	strace s7  }
0x9d: {  	s7 =	sld [smem:$0x3FFD];
	_ =	sdelay $0x3  }
0x9e: {  	_ =	strace s7  }
0x9f: {  	_ =	strace $0x8FFFFFFF  }
0xa0: {  	s20 =	sld [smem:$0x3FDB];
	_ =	sdelay $0x1  }
0xa1: {  	s8 =	simm.s32 $_scs_section_size  }
0xa2: {  	s9 =	simm.s32 $_size__tile_overlayer_lowered;
	s10 =	simm.s32 $_tile_overlayer_lowered  }
0xa3: {  	s23 =	simm.s32 $0x1BFF;
	s22 =	sshll.u32 s10, $0x1;
	s7 =	sadd.s32 s8, s20  }
0xa4: {  	s11 =	simm.s32 $0x0;
	s21 =	sshll.u32 s9, $0x1;
	s9 =	sadd.s32 s22, s7  }
0xa5: {  	[timem:s11], [sflag:s23] =	dma.local [hbm:s9], s21  }
0xa6: {  	_ =	swait.ge [sflag:s23], s21  }
0xa7: {  	s8 =	ssub.s32 $0x0, s21;
	[sflag:s23] =	ssyncset.done $0x0  }
0xa8: {  	[sflag:s23] =	ssyncadd.s32 s8;
	_ =	sdelay $0x1  }
0xa9: {  	s24 =	simm.s32 $0x1B8B  }
0xaa: {  	_ =	swait.ge [sflag:s24], $0x1  }
0xab: {  	[sflag:s24] =	ssyncset.done $0x0  }
0xac: {  	s25 =	simm.s32 $0x1B8E;
	[sflag:s24] =	ssyncadd.s32 $0xFFFFFFFF  }
0xad: {  	s26 =	simm.s32 $execute0_lowered;
	[smem:$0x3FD2] =	sst s25  }
0xae: {  	s8 =	sshll.u32 s26, $0x1;
	_ =	strace $0x80000046;
	[dreg:$0x1] =	wrdreg $0xFFFFFFFF  }
0xaf: {  	s28 =	simm.s32 $_size_execute0_lowered;
	s7 =	sadd.s32 s7, s8;
	[dreg:$0x0] =	wrdreg $0x0  }
0xb0: {  	s8 =	sshll.u32 s28, $0x1;
	[dreg:$0x2] =	wrdreg s7  }
0xb1: {  	[dreg:$0x3] =	wrdreg s8  }
0xb2: {  	[dreg:$0x4] =	wrdreg $0xC0  }
0xb3: {  	_ =	task [dreg:s11], $0x5FFFF  }
0xb4: {  	[dreg:$0x1] =	wrdreg $0xFFFFFFFF  }
0xb5: {  	[dreg:$0x0] =	wrdreg $0x60  }
0xb6: {  	[dreg:$0x2] =	wrdreg s16  }
0xb7: {  	[dreg:$0x3] =	wrdreg s4  }
0xb8: {  	[dreg:$0x4] =	wrdreg s5  }
0xb9: {  	[dreg:$0x5] =	wrdreg s17  }
0xba: {  	[dreg:$0x6] =	wrdreg s18  }
0xbb: {  	[dreg:$0x7] =	wrdreg $0x9  }
0xbc: {  	_ =	task.clear_ibuf [dreg:s11], $0x8FFFF;
	_ =	strace $0x90000046  }
0xbd: {  	s29 =	simm.s32 $0x9;
	_ =	strace $0x80000048  }
0xbe: {  	_ =	swait.ge [sflag:s29], $0x1  }
0xbf: {  	[sflag:s29] =	ssyncadd.s32 $0xFFFFFFFF  }
0xc0: {  	_ =	strace $0x90000048  }
0xc1: {  	_ =	sfence  }
0xc2: {  	s30 =	sld [smem:$0x0];
	_ =	sdelay $0x2  }
0xc3: {  	s31 =	sshll.u32 s1, $0xD;
	s1 =	sshrl.u32 s1, $0x2  }
0xc4: {  	s3 =	sand.u32 $0x4000, s31;
	s1 =	sadd.s32 s1, s30  }
0xc5: {  	s0 =	sor.u32 s3, s0;
	s1 =	sshll.u32 s1, $0x11  }
0xc6: {  	s0 =	sor.u32 s1, s0  }
0xc7: {  	s0 =	sadd.s32 $0x8F2B, s0  }
0xc8: {  	[sflag:s0] =	ssyncadd.remote.s32 $0x1  }
0xc9: {  	_ =	sfence.sel $0xFFFF  }
0xca: {  	[dreg:$0x0] =	wrdreg $0xFFFFFFFF;
	(pc) =	sbr.abs _section_cstart, $3  }
0xcb: {  	[dreg:$0x1] =	wrdreg $0xFFFFFFFF  }
0xcc: {  	_ =	task.clear_ibuf [dreg:s11], $0x2FFFF;
	_ =	strace $0x9FFFFFFF  }
0xcd: {  	(tm) =	ssettm $0x7FFFFFFF  }
tec
execute0_lowered:
.L_overlay_start_1:
0x0: {  	(tag) =	ssettag $0x1  }
0x1: {  	s6 =	rddreg [dreg:$0x0]  }
0x2: {  	s4 =	rddreg [dreg:$0x1]  }
0x3: {  	s1 =	rddreg [dreg:$0x2]  }
0x4: {  	s9 =	rddreg [dreg:$0x3]  }
0x5: {  	s8 =	rddreg [dreg:$0x4]  }
0x6: {  	s0 =	rddreg [dreg:$0x5];
	s5 =	srdreg.scid;
	s3 =	simm.s32 $0x0  }
0x7: {  	s2 =	stileid.u32;
	s14 =	simm.s32 $0x3;
	s15 =	simm.s32 $0x1  }
0x8: {  	s16 =	simm.s32 $0x2;
	s17 =	simm.s32 $0x1B200;
	s18 =	simm.s32 $0x4  }
0x9: {  	s19 =	simm.s32 $0x5;
	s20 =	simm.s32 $0x0;
	s5 =	sand.u32 $0x1, s5  }
0xa: {  	s10 =	sshll.u32 s2, $0xA;
	[smem:$0x7FF] =	sst s3;
	s7 =	ssub.s32 $0x2, s5  }
0xb: {  	s5 =	sshll.u32 s5, $0x9;
	_ =	strace $0x80000047;
	s11 =	sshrl.u32 s7, $0x1  }
.Ltmp0:
0xc: {  	s10 =	sor.u32 s5, s10;
	s11 =	ssub.s32 s7, s11;
	(pc) =	sbr.rel .LBB2_1-.Ltmp0, $4  }
0xd: {  	s12 =	sshrl.u32 s10, $0x3;
	s5 =	sadd.s32 s6, s10;
	s13 =	sor.u32 $0x100, s10  }
0xe: {  	s7 =	sadd.s32 s8, s10;
	s4 =	sadd.s32 s4, s12;
	s6 =	sadd.s32 s6, s13  }
0xf: {  	s8 =	sadd.s32 s8, s13;
	s9 =	sadd.s32 s9, s12;
	s10 =	smax.u32 s11, $0x1  }
0x10: {  	v0 =	vlaneseq.u32;
	s11 =	simm.s32 $0x1B000;
	s12 =	simm.s32 $0x19000;
	s13 =	simm.s32 $0x6  }
.LBB2_13:
0x11: {  	[hbm4b:s9+s3] =	stream.linear.scatter [tilespmem:s17], [sflag:$0x6], $0x200, $0x38;
	[tilespmem:$0x1B400] =	vst v63  }
0x12: {  	_ =	swait.ge [sflag:s13], $0x200  }
0x13: {  	[sflag:s13] =	ssyncset.done $0x0  }
0x14: {  	s20 =	sadd.s32 $0x1, s20;
	[sflag:s13] =	ssyncadd.s32 $0xFFFFFE00  }
0x15: {  	p0 =	sne.s32 s20, s10;
	_ =	swait.ge [sflag:s18], $0xC800  }
.Ltmp1:
0x16: {  	[sflag:s18] =	ssyncset.done $0x0;
	(pc) =	sbr.rel @!p0 .LBB2_14-.Ltmp1, $4  }
0x17: {  	[sflag:s18] =	ssyncadd.s32 $0xFFFF3800  }
0x18: {  	_ =	swait.ge [sflag:s19], $0xC800  }
0x19: {  	[sflag:s19] =	ssyncset.done $0x0  }
0x1a: {  	[sflag:s19] =	ssyncadd.s32 $0xFFFF3800  }
.LBB2_1:
0x1b: {  	[tilespmem:s11], [sflag:$0x3] =	stream.linear.gather [hbm4b:s4+s3], $0x200, $0x38;
	[tilespmem:$0x1B400] =	vst v63  }
0x1c: {  	s21 =	simm.s32 $0x4000;
	s22 =	sadd.s32 $0x0, s5;
	s23 =	simm.s32 $0x0  }
.LBB2_2:
0x1d: {  	[tilespmem:s23], [sflag:$0x1] =	stream.linear.gather [hbm4b:s22+s3], $0x800, $0x38;
	[tilespmem:$0x1B400] =	vst v63  }
0x1e: {  	s23 =	smov.u32 s21;
	p0 =	sne.s32 s21, $0x60000  }
.Ltmp2:
0x1f: {  	s21 =	sadd.s32 $0x4000, s21;
	(pc) =	sbr.rel @p0 .LBB2_2-.Ltmp2, $2  }
0x20: {  	_ =	sdelay $0x2  }
0x21: {  	s22 =	sadd.s32 s23, s5;
	s23 =	sshra.s32 s23, $0x2  }
0x22: {  	[tilespmem:s23], [sflag:$0x1] =	stream.linear.gather [hbm4b:s22+s3], $0x800, $0x38;
	[tilespmem:$0x1B400] =	vst v63  }
0x23: {  	s21 =	simm.s32 $0x4000;
	s22 =	sadd.s32 $0x0, s6;
	s23 =	simm.s32 $0x800  }
.LBB2_4:
0x24: {  	[tilespmem:s23], [sflag:$0x2] =	stream.linear.gather [hbm4b:s22+s3], $0x800, $0x38;
	[tilespmem:$0x1B400] =	vst v63  }
0x25: {  	s22 =	smov.u32 s21;
	p0 =	sne.s32 s21, $0x60000  }
.Ltmp3:
0x26: {  	s21 =	sadd.s32 $0x4000, s21;
	(pc) =	sbr.rel @p0 .LBB2_4-.Ltmp3, $3  }
0x27: {  	_ =	sdelay $0x1  }
0x28: {  	s23 =	sshra.s32 s22, $0x2  }
0x29: {  	s22 =	sadd.s32 s22, s6;
	s23 =	sadd.s32 $0x800, s23  }
0x2a: {  	[tilespmem:s23], [sflag:$0x2] =	stream.linear.gather [hbm4b:s22+s3], $0x800, $0x38;
	[tilespmem:$0x1B400] =	vst v63  }
0x2b: {  	s21 =	simm.s32 $0x0  }
0x2c: {  	[tilespmem:s12], [sflag:$0x6] =	stream.linear.gather [hbm4b:s1+s21], $0x2000, $0x38;
	[tilespmem:$0x1B400] =	vst v63  }
0x2d: {  	_ =	swait.ge [sflag:s13], $0x2000  }
0x2e: {  	[sflag:s13] =	ssyncset.done $0x0  }
0x2f: {  	[sflag:s13] =	ssyncadd.s32 $0xFFFFE000  }
0x30: {  	_ =	swait.ge [sflag:s14], $0x200  }
0x31: {  	[sflag:s14] =	ssyncset.done $0x0  }
0x32: {  	[sflag:s14] =	ssyncadd.s32 $0xFFFFFE00  }
0x33: {  	_ =	swait.ge [sflag:s15], $0xC800  }
0x34: {  	s22 =	simm.s32 $0x4000;
	[sflag:s15] =	ssyncset.done $0x0  }
0x35: {  	s23 =	simm.s32 $0x0;
	s24 =	sadd.s32 $0x0, s7;
	[sflag:s15] =	ssyncadd.s32 $0xFFFF3800  }
.LBB2_6:
0x36: {  	[hbm4b:s24+s21] =	stream.linear.scatter [tilespmem:s23], [sflag:$0x4], $0x800, $0x38;
	[tilespmem:$0x1B400] =	vst v63  }
0x37: {  	s24 =	smov.u32 s22;
	p0 =	sne.s32 s22, $0x60000  }
.Ltmp4:
0x38: {  	s22 =	sadd.s32 $0x4000, s22;
	(pc) =	sbr.rel @p0 .LBB2_6-.Ltmp4, $2  }
0x39: {  	_ =	sdelay $0x2  }
0x3a: {  	s23 =	sshra.s32 s24, $0x2;
	s24 =	sadd.s32 s24, s7  }
.Ltmp5:
0x3b: {  	(pc) =	sbr.rel .LBB2_8-.Ltmp5, $2  }
0x3c: {  	_ =	sdelay $0x2  }
0x3d: {  	[hbm4b:s24+s21] =	stream.linear.scatter [tilespmem:s23], [sflag:$0x4], $0x800, $0x38;
	[tilespmem:$0x1B400] =	vst v63  }
.LBB2_12:
0x3e: {  	s22 =	sshll.u32 s21, $0x4;
	s23 =	sshll.u32 s21, $0x7  }
0x3f: {  	s24 =	sand.u32 $0x70, s22;
	s23 =	sand.u32 $0xC00, s23  }
0x40: {  	s23 =	sor.u32 s24, s23  }
0x41: {  	v1 =	vld [tilespmem:s23+$0x0]  }
0x42: {  	v2 =	vld [tilespmem:s23+$0xC200]  }
0x43: {  	v3 =	vld [tilespmem:s23+$0x80]  }
0x44: {  	v4 =	vld [tilespmem:s23+$0xC280]  }
0x45: {  	v5 =	vld [tilespmem:s23+$0x100]  }
0x46: {  	v6 =	vld [tilespmem:s23+$0xC300]  }
0x47: {  	v7 =	vld [tilespmem:s23+$0x180]  }
0x48: {  	v8 =	vld [tilespmem:s23+$0xC380]  }
0x49: {  	v56 =	vld [tilespmem:s23+$0x200]  }
0x4a: {  	v57 =	vld [tilespmem:s23+$0xD000]  }
0x4b: {  	v58 =	vld [tilespmem:s23+$0x280]  }
0x4c: {  	v59 =	vld [tilespmem:s23+$0xD080]  }
0x4d: {  	v9 =	vld [tilespmem:s23+$0x300]  }
0x4e: {  	v10 =	vld [tilespmem:s23+$0xD100]  }
0x4f: {  	v11 =	vld [tilespmem:s23+$0x380]  }
0x50: {  	v12 =	vld [tilespmem:s23+$0xD180]  }
0x51: {  	v13 =	vld [tilespmem:s23+$0x1000]  }
0x52: {  	v14 =	vld [tilespmem:s23+$0xD200]  }
0x53: {  	v15 =	vld [tilespmem:s23+$0x1080]  }
0x54: {  	v16 =	vld [tilespmem:s23+$0xD280]  }
0x55: {  	v17 =	vld [tilespmem:s23+$0x1100]  }
0x56: {  	v18 =	vld [tilespmem:s23+$0xD300]  }
0x57: {  	v60 =	vld [tilespmem:s23+$0x1180]  }
0x58: {  	v19 =	vld [tilespmem:s23+$0xD380]  }
0x59: {  	v63 =	vld [tilespmem:s23+$0x1200]  }
0x5a: {  	v25 =	vld [tilespmem:s23+$0xE000]  }
0x5b: {  	v26 =	vld [tilespmem:s23+$0x1280]  }
0x5c: {  	v20 =	vld [tilespmem:s23+$0xE080]  }
0x5d: {  	v29 =	vld [tilespmem:s23+$0x1300]  }
0x5e: {  	v32 =	vld [tilespmem:s23+$0xE100]  }
0x5f: {  	v33 =	vld [tilespmem:s23+$0x1380]  }
0x60: {  	v21 =	vld [tilespmem:s23+$0xE180]  }
0x61: {  	v41 =	vld [tilespmem:s23+$0x2000]  }
0x62: {  	v42 =	vld [tilespmem:s23+$0xE200]  }
0x63: {  	v43 =	vld [tilespmem:s23+$0x2080]  }
0x64: {  	v44 =	vld [tilespmem:s23+$0xE280]  }
0x65: {  	v45 =	vld [tilespmem:s23+$0x2100]  }
0x66: {  	v46 =	vld [tilespmem:s23+$0xE300]  }
0x67: {  	v47 =	vld [tilespmem:s23+$0x2180]  }
0x68: {  	v48 =	vld [tilespmem:s23+$0x2380]  }
0x69: {  	v51 =	vld [tilespmem:s23+$0x3000];
	v1 =	vshll.u32 v1, $0xA  }
0x6a: {  	v2 =	vshll.u32 v2, $0x7;
	v24 =	vshll.u32 v12, $0x7;
	v12 =	vshll.u32 v25, $0x7;
	v25 =	vld [tilespmem:s23+$0x2200]  }
0x6b: {  	v52 =	vshll.u32 v6, $0x7;
	v23 =	vshll.u32 v11, $0xA;
	v11 =	vshll.u32 v26, $0xA;
	v26 =	vld [tilespmem:s23+$0xF000]  }
0x6c: {  	v53 =	vshll.u32 v7, $0xA;
	v54 =	vshll.u32 v8, $0x7;
	v37 =	vshll.u32 v29, $0xA;
	v29 =	vld [tilespmem:s23+$0x2300]  }
0x6d: {  	v6 =	vshll.u32 v57, $0x7;
	v7 =	vshll.u32 v58, $0xA;
	v38 =	vshll.u32 v32, $0x7;
	v32 =	vld [tilespmem:s23+$0xF200]  }
0x6e: {  	v8 =	vshll.u32 v59, $0x7;
	v61 =	vshll.u32 v9, $0xA;
	v62 =	vshll.u32 v10, $0x7;
	v57 =	vld [tilespmem:s23+$0xF280]  }
0x6f: {  	v13 =	vshll.u32 v13, $0xA;
	v14 =	vshll.u32 v14, $0x7;
	v39 =	vshll.u32 v33, $0xA;
	v33 =	vld [tilespmem:s23+$0x3100]  }
0x70: {  	v27 =	vshll.u32 v15, $0xA;
	v28 =	vshll.u32 v16, $0x7;
	v9 =	vadd.s32 v23, v24;
	v24 =	vld [tilespmem:s23+$0xE380]  }
0x71: {  	v30 =	vshll.u32 v17, $0xA;
	v13 =	vadd.s32 v13, v14;
	v14 =	vadd.s32 v27, v28;
	v27 =	vld [tilespmem:s23+$0x2280]  }
0x72: {  	v31 =	vshll.u32 v18, $0x7;
	v10 =	vshll.u32 v63, $0xA;
	v34 =	vshll.u32 v20, $0x7;
	v28 =	vld [tilespmem:s23+$0xF080]  }
0x73: {  	v1 =	vadd.s32 v1, v2;
	v2 =	vshll.u32 v3, $0xA;
	v15 =	vadd.s32 v30, v31;
	v30 =	vld [tilespmem:s23+$0xF100]  }
0x74: {  	v3 =	vshll.u32 v4, $0x7;
	v7 =	vadd.s32 v7, v8;
	v8 =	vadd.s32 v61, v62;
	v62 =	vld [tilespmem:s23+$0xF300]  }
0x75: {  	v10 =	vadd.s32 v10, v12;
	v11 =	vadd.s32 v11, v34;
	v31 =	vld [tilespmem:s23+$0xF180];
	v1 =	vor.u32 v0, v1  }
0x76: {  	v34 =	vld [tilespmem:s23+$0x3180];
	v2 =	vadd.s32 v2, v3;
	v3 =	vshll.u32 v5, $0xA;
	v9 =	vor.u32 v0, v9  }
0x77: {  	v12 =	vadd.s32 v37, v38;
	v37 =	vld [tilespmem:s23+$0xF380];
	v13 =	vor.u32 v0, v13;
	v3 =	vadd.s32 v3, v52  }
0x78: {  	v15 =	vor.u32 v0, v15;
	v55 =	vor.u32 v0, v3;
	v3 =	vadd.s32 v53, v54;
	v54 =	vld [tilespmem:s23+$0x3080]  }
0x79: {  	v23 =	vor.u32 v0, v10;
	v52 =	vshll.u32 v47, $0xA;
	v47 =	vshll.u32 v62, $0x7;
	v62 =	vld [tilespmem:s23+$0x10200]  }
0x7a: {  	v36 =	vor.u32 v0, v11;
	v5 =	vor.u32 v0, v3;
	v3 =	vld.idx.msk [tilespmem:v1+s12+$0x0], $0xffff  }
0x7b: {  	v12 =	vor.u32 v0, v12;
	v10 =	vld.idx.msk [tilespmem:v9+s12+$0x0], $0xffff  }
0x7c: {  	v11 =	vld.idx.msk [tilespmem:v13+s12+$0x0], $0xffff  }
0x7d: {  	v20 =	vld.idx.msk [tilespmem:v15+s12+$0x0], $0xffff  }
0x7e: {  	v16 =	vld.idx.msk [tilespmem:v23+s12+$0x0], $0xffff  }
0x7f: {  	v2 =	vor.u32 v0, v2;
	v17 =	vld.idx.msk [tilespmem:v36+s12+$0x0], $0xffff  }
0x80: {  	v53 =	vshll.u32 v24, $0x7;
	v12 =	vld.idx.msk [tilespmem:v12+s12+$0x0], $0xffff  }
0x81: {  	v18 =	vadd.s32 v52, v53;
	v53 =	vld [tilespmem:s23+$0x3200]  }
0x82: {  	v40 =	vshll.u32 v21, $0x7;
	v15 =	vshll.u32 v44, $0x7;
	v44 =	vshll.u32 v57, $0x7;
	v57 =	vld [tilespmem:s23+$0x3300]  }
0x83: {  	v13 =	vadd.s32 v39, v40;
	v39 =	vld [tilespmem:s23+$0x4080]  }
0x84: {  	v4 =	vld.idx.msk [tilespmem:v2+s12+$0x0], $0xffff  }
0x85: {  	v58 =	vshll.u32 v27, $0xA;
	v59 =	vshll.u32 v28, $0x7;
	v1 =	vld.idx.msk [tilespmem:v55+s12+$0x0], $0xffff  }
0x86: {  	v7 =	vor.u32 v0, v7;
	v55 =	vshll.u32 v25, $0xA;
	v25 =	vadd.s32 v58, v59;
	v58 =	vld [tilespmem:s23+$0x10100]  }
0x87: {  	v8 =	vor.u32 v0, v8;
	v59 =	vld [tilespmem:s23+$0x3380]  }
0x88: {  	v2 =	vld.idx.msk [tilespmem:v5+s12+$0x0], $0xffff;
	v5 =	vshll.u32 v56, $0xA;
	v56 =	vshll.u32 v26, $0x7  }
0x89: {  	v24 =	vadd.s32 v55, v56;
	v55 =	vld [tilespmem:s23+$0x3280]  }
0x8a: {  	v19 =	vshll.u32 v19, $0x7;
	v5 =	vadd.s32 v5, v6;
	v6 =	vshll.u32 v60, $0xA;
	v56 =	vld [tilespmem:s23+$0x10080]  }
0x8b: {  	v14 =	vor.u32 v0, v14;
	v19 =	vadd.s32 v6, v19;
	v6 =	vld.idx.msk [tilespmem:v7+s12+$0x0], $0xffff  }
0x8c: {  	v61 =	vshll.u32 v30, $0x7;
	v13 =	vor.u32 v0, v13;
	v60 =	vshll.u32 v29, $0xA;
	v7 =	vld.idx.msk [tilespmem:v8+s12+$0x0], $0xffff  }
0x8d: {  	v28 =	vadd.s32 v60, v61;
	v60 =	vld [tilespmem:s23+$0x10180]  }
0x8e: {  	v49 =	vshll.u32 v45, $0xA;
	v25 =	vor.u32 v0, v25;
	v61 =	vld [tilespmem:s23+$0x4000]  }
0x8f: {  	v50 =	vshll.u32 v46, $0x7;
	v9 =	vshll.u32 v42, $0x7;
	v23 =	vshll.u32 v53, $0xA;
	v53 =	vld [tilespmem:s23+$0x11000]  }
0x90: {  	v5 =	vor.u32 v0, v5;
	v8 =	vshll.u32 v41, $0xA;
	v35 =	vor.u32 v0, v19;
	v19 =	vld.idx.msk [tilespmem:v14+s12+$0x0], $0xffff  }
0x91: {  	v63 =	vor.u32 v0, v24;
	v13 =	vld.idx.msk [tilespmem:v13+s12+$0x0], $0xffff;
	v8 =	vadd.s32 v8, v9;
	v14 =	vshll.u32 v43, $0xA  }
0x92: {  	v9 =	vshll.u32 v48, $0xA;
	v43 =	vshll.u32 v54, $0xA;
	v48 =	vshll.u32 v34, $0xA;
	v54 =	vld [tilespmem:s23+$0x10000]  }
0x93: {  	v14 =	vadd.s32 v14, v15;
	v15 =	vadd.s32 v49, v50;
	v49 =	vshll.u32 v37, $0x7;
	v38 =	vld.idx.msk [tilespmem:v25+s12+$0x0], $0xffff  }
0x94: {  	v41 =	vshll.u32 v51, $0xA;
	v51 =	vadd.s32 v48, v49;
	v48 =	vshll.u32 v57, $0xA;
	v57 =	vld [tilespmem:s23+$0x4300]  }
0x95: {  	v8 =	vor.u32 v0, v8;
	v5 =	vld.idx.msk [tilespmem:v5+s12+$0x0], $0xffff  }
0x96: {  	v18 =	vor.u32 v0, v18;
	v22 =	vld.idx.msk [tilespmem:v35+s12+$0x0], $0xffff  }
0x97: {  	v36 =	vor.u32 v0, v28;
	v35 =	vshll.u32 v31, $0x7;
	v31 =	vld.idx.msk [tilespmem:v63+s12+$0x0], $0xffff  }
0x98: {  	v63 =	vld [tilespmem:s23+$0x4180]  }
0x99: {  	v25 =	vshll.u32 v54, $0x7;
	v54 =	vld [tilespmem:s23+$0x4280]  }
0x9a: {  	v24 =	vld.idx.msk [tilespmem:v8+s12+$0x0], $0xffff  }
0x9b: {  	v14 =	vor.u32 v0, v14;
	v40 =	vadd.s32 v9, v35;
	v35 =	vld.idx.msk [tilespmem:v18+s12+$0x0], $0xffff  }
0x9c: {  	v42 =	vshll.u32 v32, $0x7;
	v15 =	vor.u32 v0, v15;
	v18 =	vld.idx.msk [tilespmem:v36+s12+$0x0], $0xffff  }
0x9d: {  	v9 =	vadd.s32 v41, v42;
	v41 =	vld [tilespmem:s23+$0x4100]  }
0x9e: {  	v42 =	vld [tilespmem:s23+$0x10300]  }
0x9f: {  	v36 =	vshll.u32 v61, $0xA;
	v61 =	vld [tilespmem:s23+$0x4380]  }
0xa0: {  	v27 =	vld.idx.msk [tilespmem:v14+s12+$0x0], $0xffff  }
0xa1: {  	v28 =	vld.idx.msk [tilespmem:v15+s12+$0x0], $0xffff  }
0xa2: {  	v8 =	vor.u32 v0, v40;
	v40 =	vld [tilespmem:s23+$0x10280]  }
0xa3: {  	v14 =	vadd.s32 v43, v44;
	v43 =	vld [tilespmem:s23+$0x10380]  }
0xa4: {  	v46 =	vshll.u32 v33, $0xA;
	v9 =	vor.u32 v0, v9;
	v44 =	vld [tilespmem:s23+$0x11080]  }
0xa5: {  	v52 =	vor.u32 v0, v51;
	v45 =	vor.u32 v0, v14;
	v14 =	vadd.s32 v46, v47;
	v47 =	vld [tilespmem:s23+$0x5180]  }
0xa6: {  	v23 =	vadd.s32 v23, v25;
	v25 =	vshll.u32 v63, $0xA;
	v63 =	vld [tilespmem:s23+$0x11180]  }
0xa7: {  	v23 =	vor.u32 v0, v23;
	v33 =	vshll.u32 v54, $0xA;
	v54 =	vshll.u32 v61, $0xA;
	v61 =	vld [tilespmem:s23+$0x11300]  }
0xa8: {  	v21 =	vld.idx.msk [tilespmem:v8+s12+$0x0], $0xffff  }
0xa9: {  	v26 =	vshll.u32 v55, $0xA;
	v29 =	vshll.u32 v56, $0x7;
	v50 =	vor.u32 v0, v14;
	v14 =	vld.idx.msk [tilespmem:v9+s12+$0x0], $0xffff  }
0xaa: {  	v49 =	vshll.u32 v58, $0x7;
	v51 =	vshll.u32 v59, $0xA;
	v26 =	vadd.s32 v26, v29;
	v9 =	vld.idx.msk [tilespmem:v52+s12+$0x0], $0xffff  }
0xab: {  	v29 =	vadd.s32 v48, v49;
	v26 =	vor.u32 v0, v26;
	v52 =	vshll.u32 v60, $0x7;
	v60 =	vld [tilespmem:s23+$0x11100]  }
0xac: {  	v29 =	vor.u32 v0, v29;
	v58 =	vshll.u32 v41, $0xA;
	v59 =	vshll.u32 v42, $0x7;
	v23 =	vld.idx.msk [tilespmem:v23+s12+$0x0], $0xffff  }
0xad: {  	v55 =	vshll.u32 v39, $0xA;
	v39 =	vadd.s32 v58, v59;
	v58 =	vld [tilespmem:s23+$0x5080]  }
0xae: {  	v59 =	vld [tilespmem:s23+$0x11280]  }
0xaf: {  	v37 =	vshll.u32 v62, $0x7;
	v62 =	vshll.u32 v43, $0x7;
	v15 =	vld.idx.msk [tilespmem:v45+s12+$0x0], $0xffff  }
0xb0: {  	v45 =	vor.u32 v0, v39;
	v39 =	vadd.s32 v25, v62;
	v25 =	vld.idx.msk [tilespmem:v26+s12+$0x0], $0xffff  }
0xb1: {  	v56 =	vshll.u32 v40, $0x7;
	v26 =	vld.idx.msk [tilespmem:v29+s12+$0x0], $0xffff  }
0xb2: {  	v36 =	vadd.s32 v36, v37;
	v37 =	vadd.s32 v55, v56;
	v56 =	vld [tilespmem:s23+$0x5000]  }
0xb3: {  	v30 =	vadd.s32 v51, v52;
	v52 =	vshll.u32 v57, $0xA;
	v57 =	vld [tilespmem:s23+$0x11200]  }
0xb4: {  	v8 =	vld.idx.msk [tilespmem:v50+s12+$0x0], $0xffff;
	v30 =	vor.u32 v0, v30  }
0xb5: {  	v50 =	vld [tilespmem:s23+$0x4200];
	v37 =	vor.u32 v0, v37  }
0xb6: {  	v34 =	vshll.u32 v53, $0x7;
	v49 =	vor.u32 v0, v39;
	v53 =	vshll.u32 v60, $0x7;
	v60 =	vld [tilespmem:s23+$0x5100]  }
0xb7: {  	v40 =	vld.idx.msk [tilespmem:v45+s12+$0x0], $0xffff  }
0xb8: {  	v45 =	vld [tilespmem:s23+$0x12200]  }
0xb9: {  	v29 =	vld.idx.msk [tilespmem:v30+s12+$0x0], $0xffff  }
0xba: {  	v39 =	vld.idx.msk [tilespmem:v37+s12+$0x0], $0xffff  }
0xbb: {  	v48 =	vshll.u32 v44, $0x7;
	v42 =	vld.idx.msk [tilespmem:v49+s12+$0x0], $0xffff  }
0xbc: {  	v32 =	vshll.u32 v50, $0xA;
	v50 =	vadd.s32 v33, v48;
	v48 =	vld [tilespmem:s23+$0x11380]  }
0xbd: {  	v49 =	vld [tilespmem:s23+$0x5200]  }
0xbe: {  	v33 =	vadd.s32 v52, v53;
	v52 =	vld [tilespmem:s23+$0x12080]  }
0xbf: {  	v36 =	vor.u32 v0, v36;
	v53 =	vld [tilespmem:s23+$0x5300]  }
0xc0: {  	v55 =	vshll.u32 v63, $0x7;
	v41 =	vshll.u32 v57, $0x7;
	v51 =	vor.u32 v0, v50;
	v50 =	vld [tilespmem:s23+$0x12000]  }
0xc1: {  	v30 =	vshll.u32 v56, $0xA;
	v32 =	vadd.s32 v32, v34;
	v34 =	vadd.s32 v54, v55;
	v54 =	vld [tilespmem:s23+$0x12100]  }
0xc2: {  	v33 =	vor.u32 v0, v33;
	v30 =	vadd.s32 v30, v41;
	v41 =	vld [tilespmem:s23+$0x5380]  }
0xc3: {  	v55 =	vld [tilespmem:s23+$0x12180]  }
0xc4: {  	v63 =	vshll.u32 v61, $0x7;
	v46 =	vor.u32 v0, v32;
	v32 =	vld.idx.msk [tilespmem:v36+s12+$0x0], $0xffff;
	v62 =	vshll.u32 v60, $0xA  }
0xc5: {  	v44 =	vshll.u32 v59, $0x7;
	v59 =	vadd.s32 v62, v63;
	v62 =	vshll.u32 v47, $0xA;
	v47 =	vld [tilespmem:s23+$0x12280]  }
0xc6: {  	v34 =	vor.u32 v0, v34;
	v37 =	vld.idx.msk [tilespmem:v51+s12+$0x0], $0xffff  }
0xc7: {  	v33 =	vld.idx.msk [tilespmem:v33+s12+$0x0], $0xffff  }
0xc8: {  	v51 =	vld [tilespmem:s23+$0x5280]  }
0xc9: {  	v61 =	vshll.u32 v50, $0x7;
	v50 =	vld [tilespmem:s23+$0x6080]  }
0xca: {  	v30 =	vor.u32 v0, v30;
	v36 =	vld.idx.msk [tilespmem:v46+s12+$0x0], $0xffff  }
0xcb: {  	v63 =	vshll.u32 v48, $0x7;
	v34 =	vld.idx.msk [tilespmem:v34+s12+$0x0], $0xffff  }
0xcc: {  	v43 =	vshll.u32 v58, $0xA;
	v62 =	vadd.s32 v62, v63;
	v46 =	vld [tilespmem:s23+$0x6000]  }
0xcd: {  	v43 =	vadd.s32 v43, v44;
	v60 =	vshll.u32 v49, $0xA;
	v48 =	vor.u32 v0, v62;
	v62 =	vld [tilespmem:s23+$0x12300]  }
0xce: {  	v56 =	vor.u32 v0, v43;
	v63 =	vadd.s32 v60, v61;
	v60 =	vshll.u32 v53, $0xA;
	v53 =	vld [tilespmem:s23+$0x6180]  }
0xcf: {  	v57 =	vor.u32 v0, v59;
	v43 =	vld.idx.msk [tilespmem:v30+s12+$0x0], $0xffff  }
0xd0: {  	v61 =	vshll.u32 v54, $0x7;
	v54 =	vld [tilespmem:s23+$0x6280]  }
0xd1: {  	v45 =	vshll.u32 v45, $0x7;
	v49 =	vor.u32 v0, v63;
	v63 =	vshll.u32 v55, $0x7;
	v55 =	vld [tilespmem:s23+$0x12380]  }
0xd2: {  	v59 =	vshll.u32 v52, $0x7;
	v58 =	vshll.u32 v51, $0xA;
	v51 =	vld [tilespmem:s23+$0x6100];
	v46 =	vshll.u32 v46, $0xA  }
0xd3: {  	v44 =	vadd.s32 v58, v59;
	v58 =	vadd.s32 v46, v45;
	v45 =	vld.idx.msk [tilespmem:v56+s12+$0x0], $0xffff  }
0xd4: {  	v59 =	vor.u32 v0, v44;
	v44 =	vld.idx.msk [tilespmem:v57+s12+$0x0], $0xffff  }
0xd5: {  	v41 =	vshll.u32 v41, $0xA;
	v46 =	vld.idx.msk [tilespmem:v48+s12+$0x0], $0xffff  }
0xd6: {  	v52 =	vadd.s32 v60, v61;
	v41 =	vadd.s32 v41, v63;
	v30 =	vld.idx.msk [tilespmem:v49+s12+$0x0], $0xffff  }
0xd7: {  	v52 =	vor.u32 v0, v52;
	v50 =	vshll.u32 v50, $0xA;
	v57 =	vshll.u32 v47, $0x7;
	v49 =	vld [tilespmem:s23+$0x14200]  }
0xd8: {  	v56 =	vor.u32 v0, v41;
	v41 =	vadd.s32 v50, v57;
	v57 =	vshll.u32 v53, $0xA;
	v53 =	vld [tilespmem:s23+$0x13000]  }
0xd9: {  	v61 =	vshll.u32 v62, $0x7;
	v62 =	vor.u32 v0, v58;
	v58 =	vshll.u32 v55, $0x7;
	v55 =	vld [tilespmem:s23+$0x13080]  }
0xda: {  	v50 =	vadd.s32 v57, v58;
	v57 =	vld [tilespmem:s23+$0x13100]  }
0xdb: {  	v58 =	vld [tilespmem:s23+$0x6380]  }
0xdc: {  	v63 =	vor.u32 v0, v41;
	v41 =	vld.idx.msk [tilespmem:v59+s12+$0x0], $0xffff  }
0xdd: {  	v60 =	vshll.u32 v51, $0xA;
	v59 =	vadd.f32 $0.0e+00, v3;
	v3 =	vld.idx.msk [tilespmem:v52+s12+$0x0], $0xffff  }
0xde: {  	v47 =	vadd.s32 v60, v61;
	v60 =	vadd.f32 $0.0e+00, v4;
	v4 =	vld.idx.msk [tilespmem:v56+s12+$0x0], $0xffff  }
0xdf: {  	v52 =	vld [tilespmem:s23+$0x6200]  }
0xe0: {  	v50 =	vor.u32 v0, v50;
	v56 =	vld [tilespmem:s23+$0x6300]  }
0xe1: {  	v61 =	vadd.f32 v2, v60;
	v60 =	vld [tilespmem:s23+$0x13200]  }
0xe2: {  	v51 =	vadd.f32 v1, v59;
	v1 =	vld.idx.msk [tilespmem:v62+s12+$0x0], $0xffff  }
0xe3: {  	v47 =	vor.u32 v0, v47;
	v2 =	vld.idx.msk [tilespmem:v63+s12+$0x0], $0xffff  }
0xe4: {  	v59 =	vld [tilespmem:s23+$0x7000]  }
0xe5: {  	v63 =	vadd.f32 v6, v61;
	v6 =	vld.idx.msk [tilespmem:v50+s12+$0x0], $0xffff  }
0xe6: {  	v50 =	vld [tilespmem:s23+$0x8080]  }
0xe7: {  	v62 =	vadd.f32 v5, v51;
	v51 =	vld [tilespmem:s23+$0x14280]  }
0xe8: {  	v5 =	vld.idx.msk [tilespmem:v47+s12+$0x0], $0xffff;
	v10 =	vadd.f32 v10, v63  }
0xe9: {  	v61 =	vshll.u32 v52, $0xA;
	v63 =	vld [tilespmem:s23+$0x13300]  }
0xea: {  	v7 =	vadd.f32 v7, v62;
	v62 =	vshll.u32 v53, $0x7;
	v53 =	vld [tilespmem:s23+$0x7180];
	v10 =	vadd.f32 v19, v10  }
0xeb: {  	v19 =	vshll.u32 v55, $0x7;
	v55 =	vshll.u32 v56, $0xA;
	v56 =	vshll.u32 v57, $0x7;
	v57 =	vld [tilespmem:s23+$0x7200]  }
0xec: {  	v52 =	vadd.s32 v61, v62;
	v62 =	vld [tilespmem:s23+$0x7300];
	v7 =	vadd.f32 v11, v7  }
0xed: {  	v11 =	vshll.u32 v54, $0xA;
	v54 =	vld [tilespmem:s23+$0x13380];
	v10 =	vadd.f32 v22, v10  }
0xee: {  	v7 =	vadd.f32 v20, v7;
	v48 =	vshll.u32 v63, $0x7;
	v63 =	vld [tilespmem:s23+$0x14100]  }
0xef: {  	v10 =	vadd.f32 v17, v10;
	v17 =	vld [tilespmem:s23+$0x13180]  }
0xf0: {  	v7 =	vadd.f32 v16, v7;
	v16 =	vshll.u32 v58, $0xA;
	v58 =	vld [tilespmem:s23+$0x14000]  }
0xf1: {  	v10 =	vadd.f32 v13, v10;
	v13 =	vshll.u32 v60, $0x7;
	v60 =	vld [tilespmem:s23+$0x14080]  }
0xf2: {  	v7 =	vadd.f32 v12, v7;
	v12 =	vshll.u32 v59, $0xA;
	v59 =	vld [tilespmem:s23+$0x7280]  }
0xf3: {  	v11 =	vadd.s32 v11, v19;
	v19 =	vadd.s32 v55, v56;
	v10 =	vadd.f32 v27, v10;
	v27 =	vld [tilespmem:s23+$0x13280]  }
0xf4: {  	v11 =	vor.u32 v0, v11;
	v19 =	vor.u32 v0, v19;
	v7 =	vadd.f32 v24, v7;
	v24 =	vld [tilespmem:s23+$0x7080]  }
0xf5: {  	v22 =	vshll.u32 v57, $0xA;
	v10 =	vadd.f32 v35, v10;
	v35 =	vshll.u32 v54, $0x7;
	v54 =	vld [tilespmem:s23+$0x14180]  }
0xf6: {  	v12 =	vadd.s32 v12, v13;
	v20 =	vshll.u32 v58, $0x7;
	v7 =	vadd.f32 v28, v7;
	v28 =	vld [tilespmem:s23+$0x7100]  }
0xf7: {  	v17 =	vshll.u32 v17, $0x7;
	v20 =	vadd.s32 v22, v20;
	v22 =	vshll.u32 v49, $0x7;
	v49 =	vld [tilespmem:s23+$0x9100]  }
0xf8: {  	v12 =	vor.u32 v0, v12;
	v38 =	vadd.f32 v38, v10;
	v10 =	vshll.u32 v53, $0xA;
	v53 =	vld [tilespmem:s23+$0x7380]  }
0xf9: {  	v16 =	vadd.s32 v16, v17;
	v35 =	vadd.s32 v10, v35;
	v10 =	vld.idx.msk [tilespmem:v11+s12+$0x0], $0xffff  }
0xfa: {  	v58 =	vshll.u32 v62, $0xA;
	v57 =	vshll.u32 v59, $0xA;
	v59 =	vshll.u32 v63, $0x7;
	v11 =	vld.idx.msk [tilespmem:v19+s12+$0x0], $0xffff  }
0xfb: {  	v16 =	vor.u32 v0, v16;
	v19 =	vadd.s32 v58, v59;
	v58 =	vld [tilespmem:s23+$0x8280]  }
0xfc: {  	v20 =	vor.u32 v0, v20;
	v59 =	vld [tilespmem:s23+$0x15080]  }
0xfd: {  	v13 =	vshll.u32 v60, $0x7;
	v31 =	vadd.f32 v31, v7;
	v12 =	vld.idx.msk [tilespmem:v12+s12+$0x0], $0xffff  }
0xfe: {  	v56 =	vor.u32 v0, v35;
	v35 =	vadd.s32 v57, v13;
	v57 =	vld [tilespmem:s23+$0x15000]  }
0xff: {  	v7 =	vor.u32 v0, v52;
	v62 =	vshll.u32 v54, $0x7;
	v31 =	vadd.f32 v18, v31;
	v54 =	vld [tilespmem:s23+$0x8180]  }
0x100: {  	v13 =	vld.idx.msk [tilespmem:v16+s12+$0x0], $0xffff  }
0x101: {  	v28 =	vshll.u32 v28, $0xA;
	v31 =	vadd.f32 v14, v31;
	v14 =	vld.idx.msk [tilespmem:v20+s12+$0x0], $0xffff  }
0x102: {  	v27 =	vshll.u32 v27, $0x7;
	v61 =	vshll.u32 v24, $0xA;
	v52 =	vadd.s32 v28, v48;
	v48 =	vld [tilespmem:s23+$0x8000]  }
0x103: {  	v17 =	vadd.s32 v61, v27;
	v61 =	vshll.u32 v53, $0xA;
	v53 =	vld [tilespmem:s23+$0x14300]  }
0x104: {  	v19 =	vor.u32 v0, v19;
	v7 =	vld.idx.msk [tilespmem:v7+s12+$0x0], $0xffff  }
0x105: {  	v55 =	vor.u32 v0, v52;
	v52 =	vld [tilespmem:s23+$0x8100]  }
0x106: {  	v60 =	vor.u32 v0, v35;
	v28 =	vadd.s32 v61, v62;
	v61 =	vld [tilespmem:s23+$0x15100]  }
0x107: {  	v21 =	vadd.f32 v21, v38;
	v62 =	vld [tilespmem:s23+$0x8380]  }
0x108: {  	v17 =	vor.u32 v0, v17;
	v18 =	vld.idx.msk [tilespmem:v56+s12+$0x0], $0xffff  }
0x109: {  	v21 =	vadd.f32 v15, v21;
	v35 =	vadd.f32 v8, v31;
	v8 =	vld.idx.msk [tilespmem:v19+s12+$0x0], $0xffff  }
0x10a: {  	v56 =	vld [tilespmem:s23+$0x8200]  }
0x10b: {  	v21 =	vadd.f32 v9, v21;
	v15 =	vld.idx.msk [tilespmem:v60+s12+$0x0], $0xffff  }
0x10c: {  	v60 =	vld [tilespmem:s23+$0x8300]  }
0x10d: {  	v47 =	vadd.f32 v25, v21;
	v16 =	vld.idx.msk [tilespmem:v17+s12+$0x0], $0xffff  }
0x10e: {  	v38 =	vadd.f32 v23, v35;
	v23 =	vshll.u32 v50, $0xA;
	v50 =	vld [tilespmem:s23+$0x15300]  }
0x10f: {  	v63 =	vor.u32 v0, v28;
	v20 =	vadd.f32 v29, v47;
	v47 =	vld [tilespmem:s23+$0x15280]  }
0x110: {  	v17 =	vld.idx.msk [tilespmem:v55+s12+$0x0], $0xffff  }
0x111: {  	v21 =	vshll.u32 v48, $0xA;
	v55 =	vld [tilespmem:s23+$0x14380]  }
0x112: {  	v24 =	vshll.u32 v51, $0x7;
	v21 =	vadd.s32 v21, v22;
	v22 =	vshll.u32 v62, $0xA;
	v62 =	vld [tilespmem:s23+$0x9200]  }
0x113: {  	v23 =	vadd.s32 v23, v24;
	v19 =	vadd.f32 v26, v38;
	v38 =	vld [tilespmem:s23+$0x16280]  }
0x114: {  	v23 =	vor.u32 v0, v23;
	v9 =	vld.idx.msk [tilespmem:v63+s12+$0x0], $0xffff  }
0x115: {  	v20 =	vadd.f32 v39, v20;
	v63 =	vld [tilespmem:s23+$0x15180]  }
0x116: {  	v39 =	vshll.u32 v52, $0xA;
	v52 =	vld [tilespmem:s23+$0x9180]  }
0x117: {  	v48 =	vshll.u32 v58, $0xA;
	v20 =	vadd.f32 v42, v20;
	v42 =	vld [tilespmem:s23+$0x9000]  }
0x118: {  	v21 =	vor.u32 v0, v21;
	v19 =	vadd.f32 v32, v19;
	v58 =	vshll.u32 v50, $0x7;
	v50 =	vld [tilespmem:s23+$0x17080]  }
0x119: {  	v23 =	vld.idx.msk [tilespmem:v23+s12+$0x0], $0xffff  }
0x11a: {  	v19 =	vadd.f32 v40, v19;
	v40 =	vshll.u32 v53, $0x7;
	v20 =	vadd.f32 v37, v20;
	v37 =	vld [tilespmem:s23+$0xA080]  }
0x11b: {  	v24 =	vadd.s32 v39, v40;
	v39 =	vld [tilespmem:s23+$0xA100]  }
0x11c: {  	v40 =	vld [tilespmem:s23+$0x16300]  }
0x11d: {  	v21 =	vld.idx.msk [tilespmem:v21+s12+$0x0], $0xffff  }
0x11e: {  	v53 =	vshll.u32 v63, $0x7;
	v63 =	vld [tilespmem:s23+$0x16000]  }
0x11f: {  	v35 =	vshll.u32 v61, $0x7;
	v19 =	vadd.f32 v36, v19;
	v36 =	vld [tilespmem:s23+$0x16200]  }
0x120: {  	v20 =	vadd.f32 v34, v20;
	v34 =	vshll.u32 v60, $0xA;
	v22 =	vadd.s32 v22, v53;
	v53 =	vld [tilespmem:s23+$0xA380]  }
0x121: {  	v51 =	vadd.s32 v34, v35;
	v34 =	vld [tilespmem:s23+$0x16180]  }
0x122: {  	v35 =	vld [tilespmem:s23+$0xA000]  }
0x123: {  	v24 =	vor.u32 v0, v24;
	v26 =	vshll.u32 v42, $0xA;
	v42 =	vld [tilespmem:s23+$0x16380]  }
0x124: {  	v19 =	vadd.f32 v33, v19;
	v33 =	vshll.u32 v59, $0x7;
	v59 =	vshll.u32 v52, $0xA;
	v52 =	vld [tilespmem:s23+$0x17100]  }
0x125: {  	v20 =	vadd.f32 v45, v20;
	v45 =	vld [tilespmem:s23+$0x9080]  }
0x126: {  	v29 =	vshll.u32 v56, $0xA;
	v56 =	vor.u32 v0, v51;
	v51 =	vld [tilespmem:s23+$0xA300]  }
0x127: {  	v19 =	vadd.f32 v43, v19;
	v43 =	vshll.u32 v54, $0xA;
	v54 =	vld [tilespmem:s23+$0x15380]  }
0x128: {  	v31 =	vshll.u32 v57, $0x7;
	v22 =	vor.u32 v0, v22;
	v24 =	vld.idx.msk [tilespmem:v24+s12+$0x0], $0xffff  }
0x129: {  	v20 =	vadd.f32 v46, v20;
	v46 =	vadd.s32 v29, v31;
	v29 =	vshll.u32 v47, $0x7;
	v47 =	vld [tilespmem:s23+$0x17000]  }
0x12a: {  	v31 =	vadd.s32 v48, v33;
	v48 =	vld [tilespmem:s23+$0xA280]  }
0x12b: {  	v28 =	vshll.u32 v55, $0x7;
	v19 =	vadd.f32 v44, v19;
	v44 =	vld [tilespmem:s23+$0x15200]  }
0x12c: {  	v25 =	vadd.s32 v43, v28;
	v55 =	vor.u32 v0, v31;
	v31 =	vld [tilespmem:s23+$0x9300]  }
0x12d: {  	v25 =	vor.u32 v0, v25;
	v22 =	vld.idx.msk [tilespmem:v22+s12+$0x0], $0xffff  }
0x12e: {  	v28 =	vor.u32 v0, v46;
	v20 =	vadd.f32 v41, v20;
	v41 =	vld [tilespmem:s23+$0xA180]  }
0x12f: {  	v19 =	vadd.f32 v30, v19;
	v30 =	vld.idx.msk [tilespmem:v56+s12+$0x0], $0xffff  }
0x130: {  	v32 =	vshll.u32 v49, $0xA;
	v57 =	vshll.u32 v45, $0xA;
	v45 =	vld [tilespmem:s23+$0xA200];
	v60 =	vshll.u32 v54, $0x7  }
0x131: {  	v32 =	vadd.s32 v32, v58;
	v33 =	vadd.s32 v59, v60;
	v59 =	vshll.u32 v51, $0xA;
	v51 =	vld [tilespmem:s23+$0x18380]  }
0x132: {  	v32 =	vor.u32 v0, v32;
	v25 =	vld.idx.msk [tilespmem:v25+s12+$0x0], $0xffff  }
0x133: {  	v28 =	vld.idx.msk [tilespmem:v28+s12+$0x0], $0xffff  }
0x134: {  	v29 =	vadd.s32 v57, v29;
	v4 =	vadd.f32 v4, v20;
	v61 =	vor.u32 v0, v33;
	v33 =	vld [tilespmem:s23+$0x9380]  }
0x135: {  	v3 =	vadd.f32 v3, v19;
	v27 =	vshll.u32 v44, $0x7;
	v43 =	vshll.u32 v31, $0xA;
	v31 =	vld [tilespmem:s23+$0xB300]  }
0x136: {  	v29 =	vor.u32 v0, v29;
	v26 =	vadd.s32 v26, v27;
	v27 =	vld.idx.msk [tilespmem:v55+s12+$0x0], $0xffff  }
0x137: {  	v2 =	vadd.f32 v2, v4;
	v1 =	vadd.f32 v1, v3;
	v3 =	vld.idx.msk [tilespmem:v32+s12+$0x0], $0xffff  }
0x138: {  	v32 =	vld [tilespmem:s23+$0x16100]  }
0x139: {  	v55 =	vld [tilespmem:s23+$0x17180];
	v26 =	vor.u32 v0, v26;
	v2 =	vadd.f32 v6, v2  }
0x13a: {  	v6 =	vshll.u32 v63, $0x7;
	v63 =	vld [tilespmem:s23+$0xB000]  }
0x13b: {  	v20 =	vld.idx.msk [tilespmem:v29+s12+$0x0], $0xffff;
	v2 =	vadd.f32 v10, v2  }
0x13c: {  	v58 =	vshll.u32 v50, $0x7;
	v1 =	vadd.f32 v5, v1;
	v5 =	vshll.u32 v62, $0xA;
	v29 =	vld [tilespmem:s23+$0x16080]  }
0x13d: {  	v54 =	vshll.u32 v42, $0x7;
	v5 =	vadd.s32 v5, v6;
	v4 =	vld.idx.msk [tilespmem:v61+s12+$0x0], $0xffff;
	v2 =	vadd.f32 v13, v2  }
0x13e: {  	v6 =	vshll.u32 v41, $0xA;
	v1 =	vadd.f32 v7, v1;
	v5 =	vor.u32 v0, v5;
	v19 =	vld.idx.msk [tilespmem:v26+s12+$0x0], $0xffff  }
0x13f: {  	v57 =	vshll.u32 v48, $0xA;
	v6 =	vadd.s32 v6, v54;
	v26 =	vld [tilespmem:s23+$0x9280];
	v2 =	vadd.f32 v16, v2  }
0x140: {  	v6 =	vor.u32 v0, v6;
	v1 =	vadd.f32 v11, v1;
	v16 =	vshll.u32 v34, $0x7;
	v34 =	vld [tilespmem:s23+$0x18100]  }
0x141: {  	v46 =	vshll.u32 v33, $0xA;
	v10 =	vshll.u32 v29, $0x7;
	v29 =	vld [tilespmem:s23+$0xB280];
	v2 =	vadd.f32 v18, v2  }
0x142: {  	v60 =	vshll.u32 v52, $0x7;
	v1 =	vadd.f32 v12, v1;
	v11 =	vadd.s32 v46, v16;
	v46 =	vld [tilespmem:s23+$0xC100]  }
0x143: {  	v61 =	vadd.s32 v59, v60;
	v44 =	vshll.u32 v32, $0x7;
	v5 =	vld.idx.msk [tilespmem:v5+s12+$0x0], $0xffff;
	v2 =	vadd.f32 v15, v2  }
0x144: {  	v18 =	vshll.u32 v36, $0x7;
	v11 =	vor.u32 v0, v11;
	v36 =	vld [tilespmem:s23+$0xB380];
	v1 =	vadd.f32 v17, v1  }
0x145: {  	v17 =	vshll.u32 v35, $0xA;
	v6 =	vld.idx.msk [tilespmem:v6+s12+$0x0], $0xffff;
	v7 =	vshll.u32 v26, $0xA;
	v2 =	vadd.f32 v9, v2  }
0x146: {  	v49 =	vadd.s32 v17, v18;
	v26 =	vld [tilespmem:s23+$0x17380];
	v1 =	vadd.f32 v14, v1;
	v7 =	vadd.s32 v7, v10  }
0x147: {  	v10 =	vadd.s32 v43, v44;
	v16 =	vor.u32 v0, v49;
	v43 =	vld [tilespmem:s23+$0xC080];
	v2 =	vadd.f32 v23, v2  }
0x148: {  	v13 =	vshll.u32 v45, $0xA;
	v62 =	vshll.u32 v55, $0x7;
	v9 =	vshll.u32 v40, $0x7;
	v40 =	vld [tilespmem:s23+$0xC000]  }
0x149: {  	v7 =	vor.u32 v0, v7;
	v1 =	vadd.f32 v8, v1;
	v11 =	vld.idx.msk [tilespmem:v11+s12+$0x0], $0xffff;
	v2 =	vadd.f32 v25, v2  }
0x14a: {  	v15 =	vshll.u32 v38, $0x7;
	v14 =	vshll.u32 v37, $0xA;
	v10 =	vor.u32 v0, v10;
	v23 =	vld [tilespmem:s23+$0xB100]  }
0x14b: {  	v14 =	vadd.s32 v14, v15;
	v1 =	vadd.f32 v21, v1;
	v21 =	vld [tilespmem:s23+$0x17200];
	v2 =	vadd.f32 v27, v2  }
0x14c: {  	v32 =	vshll.u32 v63, $0xA;
	v12 =	vshll.u32 v47, $0x7;
	v56 =	vor.u32 v0, v14;
	v16 =	vld.idx.msk [tilespmem:v16+s12+$0x0], $0xffff  }
0x14d: {  	v12 =	vadd.s32 v13, v12;
	v25 =	vld [tilespmem:s23+$0xB180];
	v1 =	vadd.f32 v24, v1;
	v2 =	vadd.f32 v22, v2  }
0x14e: {  	v12 =	vor.u32 v0, v12;
	v8 =	vshll.u32 v39, $0xA;
	v14 =	vadd.s32 v57, v58;
	v7 =	vld.idx.msk [tilespmem:v7+s12+$0x0], $0xffff  }
0x14f: {  	v14 =	vor.u32 v0, v14;
	v10 =	vld.idx.msk [tilespmem:v10+s12+$0x0], $0xffff;
	v1 =	vadd.f32 v28, v1;
	v2 =	vadd.f32 v20, v2  }
0x150: {  	v18 =	vshll.u32 v34, $0x7;
	v15 =	vor.u32 v0, v61;
	v8 =	vadd.s32 v8, v9;
	v24 =	vld [tilespmem:s23+$0x17300]  }
0x151: {  	v9 =	vshll.u32 v53, $0xA;
	v13 =	vld.idx.msk [tilespmem:v56+s12+$0x0], $0xffff;
	v1 =	vadd.f32 v30, v1;
	v2 =	vadd.f32 v4, v2  }
0x152: {  	v54 =	vshll.u32 v46, $0xA;
	v8 =	vor.u32 v0, v8;
	v9 =	vadd.s32 v9, v62;
	v27 =	vld [tilespmem:s23+$0xB200]  }
0x153: {  	v9 =	vor.u32 v0, v9;
	v22 =	vld [tilespmem:s23+$0x17280];
	v1 =	vadd.f32 v19, v1;
	v2 =	vadd.f32 v7, v2  }
0x154: {  	v49 =	vshll.u32 v36, $0xA;
	v57 =	vshll.u32 v51, $0x7;
	v53 =	vshll.u32 v43, $0xA;
	v14 =	vld.idx.msk [tilespmem:v14+s12+$0x0], $0xffff  }
0x155: {  	v33 =	vshll.u32 v21, $0x7;
	v1 =	vadd.f32 v3, v1;
	v3 =	vld [tilespmem:s23+$0xB080];
	v2 =	vadd.f32 v11, v2  }
0x156: {  	v28 =	vld [tilespmem:s23+$0x18000];
	v38 =	vshll.u32 v23, $0xA;
	v35 =	vadd.s32 v32, v33;
	v41 =	vshll.u32 v25, $0xA  }
0x157: {  	v8 =	vld.idx.msk [tilespmem:v8+s12+$0x0], $0xffff;
	v39 =	vshll.u32 v24, $0x7;
	v1 =	vadd.f32 v5, v1;
	v2 =	vadd.f32 v13, v2  }
0x158: {  	v9 =	vld.idx.msk [tilespmem:v9+s12+$0x0], $0xffff;
	v4 =	vshll.u32 v22, $0x7;
	v7 =	vshll.u32 v40, $0xA;
	v11 =	vshll.u32 v26, $0x7  }
0x159: {  	v30 =	vld [tilespmem:s23+$0x18080];
	v1 =	vadd.f32 v10, v1;
	v5 =	vadd.s32 v41, v11;
	v2 =	vadd.f32 v6, v2  }
0x15a: {  	v12 =	vld.idx.msk [tilespmem:v12+s12+$0x0], $0xffff;
	v3 =	vshll.u32 v3, $0xA;
	v13 =	vshll.u32 v27, $0xA;
	v5 =	vor.u32 v0, v5  }
0x15b: {  	v37 =	vld [tilespmem:s23+$0x18180];
	v1 =	vadd.f32 v16, v1;
	v3 =	vadd.s32 v3, v4;
	v2 =	vadd.f32 v14, v2  }
0x15c: {  	v15 =	vld.idx.msk [tilespmem:v15+s12+$0x0], $0xffff;
	v4 =	vadd.s32 v38, v39;
	v16 =	vshll.u32 v28, $0x7;
	v3 =	vor.u32 v0, v3  }
0x15d: {  	v42 =	vld [tilespmem:s23+$0x18200];
	v1 =	vadd.f32 v8, v1;
	v2 =	vadd.f32 v9, v2;
	v9 =	vor.u32 v0, v35  }
0x15e: {  	v45 =	vld [tilespmem:s23+$0x18280];
	v4 =	vor.u32 v0, v4;
	v6 =	vshll.u32 v29, $0xA;
	v8 =	vshll.u32 v30, $0x7  }
0x15f: {  	v50 =	vld [tilespmem:s23+$0xC180];
	v44 =	vadd.s32 v13, v16;
	v6 =	vadd.s32 v6, v8;
	v1 =	vadd.f32 v12, v1  }
0x160: {  	v47 =	vld [tilespmem:s23+$0x18300];
	v11 =	vor.u32 v0, v44;
	v12 =	vshll.u32 v31, $0xA;
	v6 =	vor.u32 v0, v6  }
0x161: {  	v48 =	vadd.s32 v12, v18;
	v1 =	vadd.f32 v15, v1;
	v15 =	vshll.u32 v37, $0x7;
	v3 =	vld.idx.msk [tilespmem:v3+s12+$0x0], $0xffff  }
0x162: {  	v10 =	vshll.u32 v42, $0x7;
	v8 =	vor.u32 v0, v48;
	v12 =	vadd.s32 v49, v15;
	v9 =	vld.idx.msk [tilespmem:v9+s12+$0x0], $0xffff  }
0x163: {  	v7 =	vadd.s32 v7, v10;
	v13 =	vshll.u32 v45, $0x7;
	v5 =	vld.idx.msk [tilespmem:v5+s12+$0x0], $0xffff;
	v52 =	vor.u32 v0, v12  }
0x164: {  	v7 =	vor.u32 v0, v7;
	v14 =	vshll.u32 v50, $0xA;
	v4 =	vld.idx.msk [tilespmem:v4+s12+$0x0], $0xffff;
	v12 =	vadd.s32 v53, v13  }
0x165: {  	v55 =	vshll.u32 v47, $0x7;
	v14 =	vadd.s32 v14, v57;
	v11 =	vld.idx.msk [tilespmem:v11+s12+$0x0], $0xffff;
	v12 =	vor.u32 v0, v12  }
0x166: {  	v56 =	vadd.s32 v54, v55;
	v58 =	vor.u32 v0, v14;
	v6 =	vld.idx.msk [tilespmem:v6+s12+$0x0], $0xffff  }
0x167: {  	v13 =	vor.u32 v0, v56;
	v2 =	vadd.f32 v3, v2;
	v3 =	vld.idx.msk [tilespmem:v8+s12+$0x0], $0xffff;
	v1 =	vadd.f32 v9, v1  }
0x168: {  	v59 =	vld.idx.msk [tilespmem:v52+s12+$0x0], $0xffff  }
0x169: {  	v60 =	vld.idx.msk [tilespmem:v7+s12+$0x0], $0xffff;
	v2 =	vadd.f32 v5, v2;
	v1 =	vadd.f32 v4, v1  }
0x16a: {  	v61 =	vld.idx.msk [tilespmem:v12+s12+$0x0], $0xffff  }
0x16b: {  	v63 =	vld.idx.msk [tilespmem:v58+s12+$0x0], $0xffff;
	v2 =	vadd.f32 v6, v2;
	v1 =	vadd.f32 v11, v1  }
0x16c: {  	v62 =	vld.idx.msk [tilespmem:v13+s12+$0x0], $0xffff  }
0x16d: {  	v2 =	vadd.f32 v59, v2;
	v1 =	vadd.f32 v3, v1;
	_ =	sdelay $0x1  }
0x16e: {  	v2 =	vadd.f32 v61, v2;
	v1 =	vadd.f32 v60, v1  }
0x16f: {  	v3 =	vld [tilespmem:s22+$0x1B000]  }
0x170: {  	s21 =	sadd.s32 $0x1, s21;
	v2 =	vadd.f32 v63, v2;
	v1 =	vadd.f32 v62, v1  }
0x171: {  	p0 =	sne.s32 s21, $0x20  }
.Ltmp6:
0x172: {  	v1 =	vadd.f32 v2, v1;
	(pc) =	sbr.rel @!p0 .LBB2_13-.Ltmp6, $3  }
0x173: {  	_ = 	snop  }
0x174: {  	v1 =	vadd.f32 v1, v3;
	_ =	sdelay $0x1  }
0x175: {  	[tilespmem:s22+$0x1B200] =	vst v1  }
.LBB2_8:
0x176: {  	p0 =	sne.s32 s21, $0x10  }
.Ltmp7:
0x177: {  	_ = 	snop;
	(pc) =	sbr.rel @p0 .LBB2_12-.Ltmp7, $1  }
0x178: {  	_ =	sdelay $0x3  }
0x179: {  	_ =	swait.ge [sflag:s16], $0xC800  }
0x17a: {  	s22 =	simm.s32 $0x4000;
	[sflag:s16] =	ssyncset.done $0x0  }
0x17b: {  	s23 =	simm.s32 $0x800;
	s24 =	sadd.s32 $0x0, s8;
	[sflag:s16] =	ssyncadd.s32 $0xFFFF3800  }
.LBB2_10:
0x17c: {  	[hbm4b:s24+s3] =	stream.linear.scatter [tilespmem:s23], [sflag:$0x5], $0x800, $0x38;
	[tilespmem:$0x1B400] =	vst v63  }
0x17d: {  	s24 =	smov.u32 s22;
	p0 =	sne.s32 s22, $0x60000  }
.Ltmp8:
0x17e: {  	s22 =	sadd.s32 $0x4000, s22;
	(pc) =	sbr.rel @p0 .LBB2_10-.Ltmp8, $3  }
0x17f: {  	_ =	sdelay $0x1  }
0x180: {  	s23 =	sshra.s32 s24, $0x2  }
0x181: {  	s24 =	sadd.s32 s24, s8;
	s23 =	sadd.s32 $0x800, s23  }
.Ltmp9:
0x182: {  	(pc) =	sbr.rel .LBB2_12-.Ltmp9, $2  }
0x183: {  	_ =	sdelay $0x2  }
0x184: {  	[hbm4b:s24+s3] =	stream.linear.scatter [tilespmem:s23], [sflag:$0x5], $0x800, $0x38;
	[tilespmem:$0x1B400] =	vst v63  }
.LBB2_14:
0x185: {  	_ =	sfence.sel $0x180000  }
0x186: {  	[bflag:$0x0] =	sbarrier.arrive $0xFFFF  }
0x187: {  	p0 =	sne.s32 s2, $0x0;
	_ =	strace $0x90000047  }
0x188: {  	s0 =	sadd.s32 @!p0 $0x100000, s0;
	[bflag:$0x2] =	sbarrier.arrive $0xFFFF  }
0x189: {  	[sflag:s0] =	ssyncadd.tile.s32 @!p0 $0x1;
	_ =	shalt  }
.Lfunc_end2:
_tile_overlayer_lowered:
.L_overlay_start_2:
0x18a: {  	(tag) =	ssettag $0x2  }
0x18b: {  	s0 =	rddreg [dreg:$0x0];
	s2 =	stileid.u32  }
0x18c: {  	s1 =	rddreg [dreg:$0x1];
	p0 =	sne.s32 s2, $0x0  }
0x18d: {  	s3 =	rddreg [dreg:$0x2];
	[bflag:$0x3] =	sbarrier.arrive $0xFFFF;
	s2 =	simm.s32 @!p0 $0x1C06  }
0x18e: {  	[timem:s3], [sflag:s2] =	dma.local @!p0 [hbm:s0], s1  }
0x18f: {  	s0 =	simm.s32 @!p0 $0x6  }
0x190: {  	_ =	swait.ge @!p0 [sflag:s0], s1  }
0x191: {  	s1 =	ssub.s32 @!p0 $0x0, s1;
	[sflag:s0] =	ssyncset.done @!p0 $0x0  }
0x192: {  	[sflag:s0] =	ssyncadd.s32 @!p0 s1  }
0x193: {  	[bflag:$0x3] =	sbarrier.arrive $0xFFFF  }
0x194: {  	_ =	shalt  }

</sc_bundles>
